<compile_context>
chip_gen: v7x
topology: tpu7x:2x2x1
jax: 0.10.2.dev20260603
libtpu: 0.0.44.dev20260713+nightly
codegen_flags: <defaults>
</compile_context>

<pallas_src>
import functools

import jax
import jax.numpy as jnp
from jax import lax
from jax.experimental import pallas as pl
from jax.experimental.pallas import tpu as pltpu
from jax.experimental.pallas import tpu_sc as plsc

NHI = 4
TSPAN = 0.5
LEAST_MIN_TTC = 0.95
T = 16
SCENES = 128
APS = 64
NEQ = 9
KB = APS // 16
NR = 2 * (T + 1) + 3 * T


def _sc_body(main_hbm, box_hbm, ego_hbm, out_hbm, buf, bbuf, ebuf, outref,
             scenes_per):
    info = plsc.get_sparse_core_info()
    wid = lax.axis_index("s") * info.num_cores + lax.axis_index("c")
    cols = scenes_per * APS
    chunk = NR * cols
    echunk = scenes_per * T * NEQ * 16
    pltpu.sync_copy(main_hbm.at[pl.ds(wid * chunk, chunk)], buf)
    pltpu.sync_copy(box_hbm.at[pl.ds(wid * 4 * cols, 4 * cols)], bbuf)
    pltpu.sync_copy(ego_hbm.at[pl.ds(wid * echunk, echunk)], ebuf)

    lane = lax.broadcasted_iota(jnp.int32, (T,), 0)

    def allmax(v):
        for d in (8, 4, 2, 1):
            v = jnp.maximum(v, v.at[lane ^ d].get(mode="promise_in_bounds"))
        return v

    def row(r, t, col):
        return buf[pl.ds((r + t) * cols + col, 16)]

    def scene_body(s_loc, outv):
        base = s_loc * APS

        def t_body(t, acc):
            ebase = (s_loc * T + t) * (NEQ * 16)
            ev = [ebuf[pl.ds(ebase + q * 16, 16)] for q in range(NEQ)]
            (epx, epy, ec, es, ef, ener, el, enert, evf) = ev
            evd = evf - 0.5
            ecorners = []
            for lx, ly in ((ef, el), (ef, enert), (ener, enert), (ener, el)):
                ecorners.append((lx * ec - ly * es + epx,
                                 lx * es + ly * ec + epy))

            def pair_block(col):
                bf = bbuf[pl.ds(0 * cols + col, 16)]
                nr_ = bbuf[pl.ds(1 * cols + col, 16)]
                bl = bbuf[pl.ds(2 * cols + col, 16)]
                nrt = bbuf[pl.ds(3 * cols + col, 16)]
                p4x = row(1, t, col)
                p3x = row(0, t, col)
                p4y = row(T + 2, t, col)
                p3y = row(T + 1, t, col)
                c = row(2 * T + 2, t, col)
                s = row(3 * T + 2, t, col)
                vf = row(4 * T + 2, t, col)
                vx = (p4x - p3x) / TSPAN
                vy = (p4y - p3y) / TSPAN
                apx = p4x + vx * LEAST_MIN_TTC
                apy = p4y + vy * LEAST_MIN_TTC
                hit = None
                for lx, ly in ((bf, bl), (bf, nrt), (nr_, nrt), (nr_, bl)):
                    cx = lx * c - ly * s + apx
                    cy = lx * s + ly * c + apy
                    relx = cx - epx
                    rely = cy - epy
                    x = relx * ec + rely * es
                    y = rely * ec - relx * es
                    m = jnp.minimum(jnp.minimum(ef - x, x - ener),
                                    jnp.minimum(el - y, y - enert))
                    hit = m if hit is None else jnp.maximum(hit, m)
                for cx, cy in ecorners:
                    relx = cx - apx
                    rely = cy - apy
                    x = relx * c + rely * s
                    y = rely * c - relx * s
                    m = jnp.minimum(jnp.minimum(bf - x, x - nr_),
                                    jnp.minimum(bl - y, y - nrt))
                    hit = jnp.maximum(hit, m)
                return jnp.minimum(jnp.minimum(hit, evd), vf - 0.5)

            def k_body(k, acc2):
                col = base + k * 32
                return jnp.maximum(acc2, jnp.maximum(pair_block(col),
                                                     pair_block(col + 16)))

            return lax.fori_loop(0, KB // 2, k_body, acc)

        acc = lax.fori_loop(0, T, t_body,
                            jnp.full((T,), -1.0, jnp.float32))
        reward = jnp.where(allmax(acc) > 0.0, 0.0, 1.0)
        return jnp.where(lane == s_loc, reward, outv)

    outv = lax.fori_loop(0, scenes_per, scene_body,
                         jnp.zeros((T,), jnp.float32))

    outref[...] = outv
    pltpu.sync_copy(outref, out_hbm.at[pl.ds(wid * T, T)])


def _regroup(x, nw, cols):
    r = x.shape[0]
    return x.reshape(r, nw, cols).transpose(1, 0, 2).reshape(-1)


def kernel(infer_position, infer_heading, box, infer_valid_mask, batch, ptr):
    del batch, ptr
    n = infer_position.shape[0]
    info = plsc.get_sparse_core_info()
    nw = info.num_cores * info.num_subcores
    scenes_per = SCENES // nw
    cols = scenes_per * APS

    pT = jnp.transpose(infer_position, (1, 2, 0))
    yawT = jnp.transpose(infer_heading[:, NHI:], (1, 0))
    main = jnp.concatenate([
        pT[NHI - 1:, 0], pT[NHI - 1:, 1],
        jnp.cos(yawT), jnp.sin(yawT),
        jnp.where((jnp.arange(n) % APS != 0)[None, :],
                  jnp.transpose(infer_valid_mask[:, NHI:], (1, 0))
                  .astype(jnp.float32), 0.0),
    ], axis=0)
    main = _regroup(main, nw, cols)
    boxp = jnp.stack([box[:, 0], -box[:, 1], box[:, 2], -box[:, 3]], axis=0)
    boxp = _regroup(boxp, nw, cols)

    epS = infer_position.reshape(SCENES, APS, 20, 2)[:, 0]
    ep4 = epS[:, NHI:, :]
    ep3 = epS[:, NHI - 1:-1, :]
    evel = (ep4 - ep3) / TSPAN
    epos = ep4 + evel * LEAST_MIN_TTC
    eyaw = infer_heading.reshape(SCENES, APS, 20)[:, 0, NHI:]
    ebox = box.reshape(SCENES, APS, 4)[:, 0]
    evalid = infer_valid_mask.reshape(SCENES, APS, 20)[:, 0, NHI:]
    bcast = lambda v: jnp.broadcast_to(v[:, None], (SCENES, T))
    equant = [epos[..., 0], epos[..., 1], jnp.cos(eyaw), jnp.sin(eyaw),
              bcast(ebox[:, 0]), bcast(-ebox[:, 1]),
              bcast(ebox[:, 2]), bcast(-ebox[:, 3]),
              evalid.astype(jnp.float32)]
    st = SCENES * T
    E = jnp.concatenate(
        [jnp.broadcast_to(q.reshape(st, 1), (st, 16)) for q in equant],
        axis=1)
    ego = E.reshape(-1)

    run = pl.kernel(
        functools.partial(_sc_body, scenes_per=scenes_per),
        out_type=jax.ShapeDtypeStruct((nw * T,), jnp.float32),
        mesh=plsc.VectorSubcoreMesh(core_axis_name="c", subcore_axis_name="s"),
        scratch_types=[
            pltpu.VMEM((NR * cols,), jnp.float32),
            pltpu.VMEM((4 * cols,), jnp.float32),
            pltpu.VMEM((scenes_per * T * NEQ * 16,), jnp.float32),
            pltpu.VMEM((T,), jnp.float32),
        ],
    )
    out_flat = run(main, boxp, ego)
    return out_flat.reshape(nw, T)[:, :scenes_per].reshape(SCENES)

# --- scband reference (transcript-rebuilt; emitter-appended) ---
"""Pipeline reference for scband-ttcreward-34651796144496 (READ-ONLY COPY).

The authoritative reference and input builder live on the scoring server;
editing this copy changes nothing except your own understanding.
"""

import jax, jax.numpy as jnp
import numpy as np

LONG_TH = 0.0
LAT_TH = 0.0
NHI = 4
LEAST_MIN_TTC = 0.95
TSPAN = 0.5

def compute_corner_positions(pos, yaw, box):
    front = box[:, 0]; rear = box[:, 1]; left = box[:, 2]; right = box[:, 3]
    lx = jnp.stack([front, front, -rear, -rear], axis=-1)
    ly = jnp.stack([left, -right, -right, left], axis=-1)
    c = jnp.cos(yaw)[..., None]; s = jnp.sin(yaw)[..., None]
    gx = lx * c - ly * s + pos[..., 0:1]
    gy = lx * s + ly * c + pos[..., 1:2]
    return jnp.stack([gx, gy], axis=-1)

def transform_point_to_local_coordinate(point, center, yaw):
    rel = point - center
    c = jnp.cos(yaw); s = jnp.sin(yaw)
    x = rel[..., 0] * c + rel[..., 1] * s
    y = -rel[..., 0] * s + rel[..., 1] * c
    return jnp.stack([x, y], axis=-1)

def dense_to_sparse_3d(mask, size):
    T, M, Ncol = mask.shape
    t, i, j = jnp.nonzero(mask, size=size, fill_value=0)
    return jnp.stack([t * M + i, t * Ncol + j], axis=0)

def setup_inputs(seed: int = 0):
    key = jax.random.key(seed)
    N = 8192; T_total = 20; num_scenes = 128; agents_per = 64
    k1, k2, k3, k4 = jax.random.split(key, 4)
    infer_position = jax.random.normal(k1, (N, T_total, 2), dtype=jnp.float32) * 30.0
    infer_heading = jax.random.uniform(k2, (N, T_total), dtype=jnp.float32, minval=-3.14, maxval=3.14)
    box = jax.random.uniform(k3, (N, 4), dtype=jnp.float32, minval=1.0, maxval=3.0)
    infer_valid_mask = jax.random.uniform(k4, (N, T_total)) > 0.1
    batch = jnp.repeat(jnp.arange(num_scenes, dtype=jnp.int32), agents_per)
    ptr = jnp.arange(num_scenes + 1, dtype=jnp.int32) * agents_per
    return {'infer_position': infer_position, 'infer_heading': infer_heading, 'box': box,
            'infer_valid_mask': infer_valid_mask, 'batch': batch, 'ptr': ptr}

def reference(infer_position, infer_heading, box, infer_valid_mask, batch, ptr):
    vel = (infer_position[:, NHI:] - infer_position[:, NHI - 1:-1]) / TSPAN
    pos_ttc = infer_position[:, NHI:] + vel * LEAST_MIN_TTC
    yaw_ttc = infer_heading[:, NHI:]
    corner_pos_ttc = compute_corner_positions(pos_ttc, yaw_ttc, box[..., None])
    ego_index = ptr[:-1]
    num_ego = ego_index.shape[0]
    N, T, _ = vel.shape
    ego_pos = jnp.transpose(pos_ttc[ego_index], (1, 0, 2)).reshape(-1, 2)
    ego_yaw = jnp.transpose(yaw_ttc[ego_index], (1, 0)).reshape(-1)
    ego_mask = jnp.transpose(infer_valid_mask[ego_index][:, NHI:], (1, 0))
    ego_batch = batch[ego_index]
    ego_front = jnp.broadcast_to(box[ego_index, 0][None, :], (T, num_ego)).reshape(-1)
    ego_rear = jnp.broadcast_to(box[ego_index, 1][None, :], (T, num_ego)).reshape(-1)
    ego_left = jnp.broadcast_to(box[ego_index, 2][None, :], (T, num_ego)).reshape(-1)
    ego_right = jnp.broadcast_to(box[ego_index, 3][None, :], (T, num_ego)).reshape(-1)
    ego_corner = jnp.transpose(corner_pos_ttc[ego_index], (1, 0, 2, 3)).reshape(-1, 4, 2)
    agent_pos = jnp.transpose(pos_ttc, (1, 0, 2)).reshape(-1, 2)
    agent_yaw = jnp.transpose(yaw_ttc, (1, 0)).reshape(-1)
    agent_mask = jnp.transpose(infer_valid_mask[:, NHI:], (1, 0))
    agent_front = jnp.broadcast_to(box[:, 0][None, :], (T, N)).reshape(-1)
    agent_rear = jnp.broadcast_to(box[:, 1][None, :], (T, N)).reshape(-1)
    agent_left = jnp.broadcast_to(box[:, 2][None, :], (T, N)).reshape(-1)
    agent_right = jnp.broadcast_to(box[:, 3][None, :], (T, N)).reshape(-1)
    agent_corner = jnp.transpose(corner_pos_ttc, (1, 0, 2, 3)).reshape(-1, 4, 2)
    edge_mask = ego_mask[:, :, None] & agent_mask[:, None, :]
    edge_mask = edge_mask & (ego_batch[:, None] == batch[None, :])[None, :, :]
    self_mask = ego_index[:, None] != jnp.arange(N)[None, :]
    edge_mask = edge_mask & self_mask[None, :, :]
    max_edges = T * N
    edge_count = jnp.sum(edge_mask)
    e2a = dense_to_sparse_3d(edge_mask, max_edges)
    if e2a.shape[1] == 0:
        return jnp.ones(num_ego, dtype=jnp.float32)
    a2e = dense_to_sparse_3d(jnp.transpose(edge_mask, (0, 2, 1)), max_edges)
    ego_c_in_a = jnp.stack([transform_point_to_local_coordinate(ego_corner[e2a[0], i], agent_pos[e2a[1]], agent_yaw[e2a[1]]) for i in range(4)], axis=1)
    agent_c_in_e = jnp.stack([transform_point_to_local_coordinate(agent_corner[a2e[0], i], ego_pos[a2e[1]], ego_yaw[a2e[1]]) for i in range(4)], axis=1)
    def corner_ttc(front, rear, left, right, idx, cpos):
        return jnp.stack([jnp.min(jnp.stack([
            jnp.maximum(front[idx] + LONG_TH - cpos[..., i, 0], 0.0),
            jnp.maximum(rear[idx] + LONG_TH + cpos[..., i, 0], 0.0),
            jnp.maximum(left[idx] + LAT_TH - cpos[..., i, 1], 0.0),
            jnp.maximum(right[idx] + LAT_TH + cpos[..., i, 1], 0.0)], axis=0), axis=0) for i in range(4)], axis=0)
    a_in_e_ttc = corner_ttc(ego_front, ego_rear, ego_left, ego_right, a2e[1], agent_c_in_e)
    e_in_a_ttc = corner_ttc(agent_front, agent_rear, agent_left, agent_right, e2a[1], ego_c_in_a)
    ttc_loss = jnp.max(jnp.concatenate([a_in_e_ttc, e_in_a_ttc], axis=0), axis=0)
    E = ttc_loss.shape[0]
    valid_edge = jnp.arange(E) < edge_count
    seg = e2a[0]
    nseg = num_ego * T
    seg_max = jax.ops.segment_max(jnp.where(valid_edge, ttc_loss, -jnp.inf), seg, num_segments=nseg)
    is_max = (ttc_loss == seg_max[seg]) & valid_edge
    pos_idx = jnp.where(is_max, jnp.arange(E), E)
    argmax = jnp.minimum(jax.ops.segment_min(pos_idx, seg, num_segments=nseg), E)
    valid = argmax != E
    gathered = ttc_loss[jnp.clip(argmax, 0, E - 1)]
    reward_flat = jnp.where(valid, gathered <= 0.0, True)
    return reward_flat.reshape(T, num_ego).all(axis=0).astype(jnp.float32)

if __name__ == "__main__":
    import jax
    _d = setup_inputs()
    print(jax.jit(kernel)(*tuple(_d.values())))

</pallas_src>

<mosaic_0001>
#map = affine_map<(d0, d1) -> (0)>
module attributes {stable_mosaic.version = 14 : i64} {
  func.func @_sc_body(%arg0: i32, %arg1: i32, %arg2: memref<671744xf32, #tpu.memory_space<hbm>>, %arg3: memref<32768xf32, #tpu.memory_space<hbm>>, %arg4: memref<294912xf32, #tpu.memory_space<hbm>>, %arg5: memref<512xf32, #tpu.memory_space<hbm>>, %arg6: memref<20992xf32, #tpu.memory_space<vmem>>, %arg7: memref<1024xf32, #tpu.memory_space<vmem>>, %arg8: memref<9216xf32, #tpu.memory_space<vmem>>, %arg9: memref<16xf32, #tpu.memory_space<vmem>>) attributes {dimension_semantics = [#tpu.dimension_semantics<core_parallel>, #tpu.dimension_semantics<subcore_parallel>], iteration_bounds = array<i64: 2, 16>, scalar_prefetch = 0 : i64, scratch_operands = 4 : i64, tpu.core_type = #tpu.core_type<sc_vector_subcore>, window_params = [{transform_indices = #map}, {transform_indices = #map}, {transform_indices = #map}, {transform_indices = #map}]} {
    %mul3A = arith.constant 2 : i32
    %mul3A_0 = arith.muli %arg1, %mul3A : i32
    %add3A = arith.addi %mul3A_0, %arg0 : i32
    %mul3A_1 = arith.constant 20992 : i32
    %mul3A_2 = arith.muli %add3A, %mul3A_1 : i32
    "tpu.region"() ({
      %run_scoped3A = tpu.sem_alloc : memref<!tpu.dma_semaphore, #tpu.memory_space<semaphore_mem>>
      %dma_start3A = tpu.memref_slice %arg2[%mul3A_2] : memref<671744xf32, #tpu.memory_space<hbm>> -> memref<20992xf32, #tpu.memory_space<hbm>>
      %dma_start3A_20 = tpu.memref_slice %arg2[%mul3A_2] : memref<671744xf32, #tpu.memory_space<hbm>> -> memref<20992xf32, #tpu.memory_space<hbm>>
      tpu.enqueue_dma source(%dma_start3A_20 : memref<20992xf32, #tpu.memory_space<hbm>>) target(%arg6 : memref<20992xf32, #tpu.memory_space<vmem>>) target_semaphore(%run_scoped3A : memref<!tpu.dma_semaphore, #tpu.memory_space<semaphore_mem>>)
      %dma_wait3A = tpu.memref_slice %arg2[%mul3A_2] : memref<671744xf32, #tpu.memory_space<hbm>> -> memref<20992xf32, #tpu.memory_space<hbm>>
      %dma_wait3A_21 = tpu.memref_slice %arg2[%mul3A_2] : memref<671744xf32, #tpu.memory_space<hbm>> -> memref<20992xf32, #tpu.memory_space<hbm>>
      tpu.wait_dma2 semaphore(%run_scoped3A : memref<!tpu.dma_semaphore, #tpu.memory_space<semaphore_mem>>) src(%dma_wait3A_21 : memref<20992xf32, #tpu.memory_space<hbm>>) dst(%arg6 : memref<20992xf32, #tpu.memory_space<vmem>>)
      tpu.yield
    }) : () -> ()
    %mul3A_3 = arith.constant 4 : i32
    %mul3A_4 = arith.muli %add3A, %mul3A_3 : i32
    %mul3A_5 = arith.constant 256 : i32
    %mul3A_6 = arith.muli %mul3A_4, %mul3A_5 : i32
    "tpu.region"() ({
      %run_scoped3A = tpu.sem_alloc : memref<!tpu.dma_semaphore, #tpu.memory_space<semaphore_mem>>
      %dma_start3A = tpu.memref_slice %arg3[%mul3A_6] : memref<32768xf32, #tpu.memory_space<hbm>> -> memref<1024xf32, #tpu.memory_space<hbm>>
      %dma_start3A_20 = tpu.memref_slice %arg3[%mul3A_6] : memref<32768xf32, #tpu.memory_space<hbm>> -> memref<1024xf32, #tpu.memory_space<hbm>>
      tpu.enqueue_dma source(%dma_start3A_20 : memref<1024xf32, #tpu.memory_space<hbm>>) target(%arg7 : memref<1024xf32, #tpu.memory_space<vmem>>) target_semaphore(%run_scoped3A : memref<!tpu.dma_semaphore, #tpu.memory_space<semaphore_mem>>)
      %dma_wait3A = tpu.memref_slice %arg3[%mul3A_6] : memref<32768xf32, #tpu.memory_space<hbm>> -> memref<1024xf32, #tpu.memory_space<hbm>>
      %dma_wait3A_21 = tpu.memref_slice %arg3[%mul3A_6] : memref<32768xf32, #tpu.memory_space<hbm>> -> memref<1024xf32, #tpu.memory_space<hbm>>
      tpu.wait_dma2 semaphore(%run_scoped3A : memref<!tpu.dma_semaphore, #tpu.memory_space<semaphore_mem>>) src(%dma_wait3A_21 : memref<1024xf32, #tpu.memory_space<hbm>>) dst(%arg7 : memref<1024xf32, #tpu.memory_space<vmem>>)
      tpu.yield
    }) : () -> ()
    %mul3A_7 = arith.constant 9216 : i32
    %mul3A_8 = arith.muli %add3A, %mul3A_7 : i32
    "tpu.region"() ({
      %run_scoped3A = tpu.sem_alloc : memref<!tpu.dma_semaphore, #tpu.memory_space<semaphore_mem>>
      %dma_start3A = tpu.memref_slice %arg4[%mul3A_8] : memref<294912xf32, #tpu.memory_space<hbm>> -> memref<9216xf32, #tpu.memory_space<hbm>>
      %dma_start3A_20 = tpu.memref_slice %arg4[%mul3A_8] : memref<294912xf32, #tpu.memory_space<hbm>> -> memref<9216xf32, #tpu.memory_space<hbm>>
      tpu.enqueue_dma source(%dma_start3A_20 : memref<9216xf32, #tpu.memory_space<hbm>>) target(%arg8 : memref<9216xf32, #tpu.memory_space<vmem>>) target_semaphore(%run_scoped3A : memref<!tpu.dma_semaphore, #tpu.memory_space<semaphore_mem>>)
      %dma_wait3A = tpu.memref_slice %arg4[%mul3A_8] : memref<294912xf32, #tpu.memory_space<hbm>> -> memref<9216xf32, #tpu.memory_space<hbm>>
      %dma_wait3A_21 = tpu.memref_slice %arg4[%mul3A_8] : memref<294912xf32, #tpu.memory_space<hbm>> -> memref<9216xf32, #tpu.memory_space<hbm>>
      tpu.wait_dma2 semaphore(%run_scoped3A : memref<!tpu.dma_semaphore, #tpu.memory_space<semaphore_mem>>) src(%dma_wait3A_21 : memref<9216xf32, #tpu.memory_space<hbm>>) dst(%arg8 : memref<9216xf32, #tpu.memory_space<vmem>>)
      tpu.yield
    }) : () -> ()
    %iota3A = tpu.iota {dimensions = array<i32: 0>} : vector<16xi32>
    %broadcast_in_dim3A = arith.constant 0.000000e+00 : f32
    %broadcast_in_dim3A_9 = vector.broadcast %broadcast_in_dim3A : f32 to vector<16xf32>
    %scan3A = arith.constant 0 : i32
    %scan3A_10 = arith.constant 4 : i32
    %scan3A_11 = arith.addi %scan3A, %scan3A_10 : i32
    %scan3A_12 = arith.constant 1 : i32
    %scan3A_13 = scf.for %scan3A_20 = %scan3A to %scan3A_11 step %scan3A_12 iter_args(%scan3A_21 = %broadcast_in_dim3A_9) -> (vector<16xf32>)  : i32 {
      %mul3A_22 = arith.constant 64 : i32
      %mul3A_23 = arith.muli %scan3A_20, %mul3A_22 : i32
      %broadcast_in_dim3A_24 = arith.constant -1.000000e+00 : f32
      %broadcast_in_dim3A_25 = vector.broadcast %broadcast_in_dim3A_24 : f32 to vector<16xf32>
      %scan3A_26 = arith.constant 0 : i32
      %scan3A_27 = arith.constant 16 : i32
      %scan3A_28 = arith.addi %scan3A_26, %scan3A_27 : i32
      %scan3A_29 = arith.constant 1 : i32
      %scan3A_30 = scf.for %scan3A_91 = %scan3A_26 to %scan3A_28 step %scan3A_29 iter_args(%scan3A_92 = %broadcast_in_dim3A_25) -> (vector<16xf32>)  : i32 {
        %mul3A_93 = arith.constant 16 : i32
        %mul3A_94 = arith.muli %scan3A_20, %mul3A_93 : i32
        %add3A_95 = arith.addi %mul3A_94, %scan3A_91 : i32
        %mul3A_96 = arith.constant 144 : i32
        %mul3A_97 = arith.muli %add3A_95, %mul3A_96 : i32
        %add3A_98 = arith.constant 0 : i32
        %add3A_99 = arith.addi %mul3A_97, %add3A_98 : i32
        %get3A = arith.index_cast %add3A_99 : i32 to index
        %get3A_100 = tpu.vector_load %arg8[%get3A] {strides = array<i32>} : memref<9216xf32, #tpu.memory_space<vmem>>, vector<16xf32>,
        %get3A_101 = vector.shape_cast %get3A_100 : vector<16xf32> to vector<16xf32>
        %add3A_102 = arith.constant 16 : i32
        %add3A_103 = arith.addi %mul3A_97, %add3A_102 : i32
        %get3A_104 = arith.index_cast %add3A_103 : i32 to index
        %get3A_105 = tpu.vector_load %arg8[%get3A_104] {strides = array<i32>} : memref<9216xf32, #tpu.memory_space<vmem>>, vector<16xf32>,
        %get3A_106 = vector.shape_cast %get3A_105 : vector<16xf32> to vector<16xf32>
        %add3A_107 = arith.constant 32 : i32
        %add3A_108 = arith.addi %mul3A_97, %add3A_107 : i32
        %get3A_109 = arith.index_cast %add3A_108 : i32 to index
        %get3A_110 = tpu.vector_load %arg8[%get3A_109] {strides = array<i32>} : memref<9216xf32, #tpu.memory_space<vmem>>, vector<16xf32>,
        %get3A_111 = vector.shape_cast %get3A_110 : vector<16xf32> to vector<16xf32>
        %add3A_112 = arith.constant 48 : i32
        %add3A_113 = arith.addi %mul3A_97, %add3A_112 : i32
        %get3A_114 = arith.index_cast %add3A_113 : i32 to index
        %get3A_115 = tpu.vector_load %arg8[%get3A_114] {strides = array<i32>} : memref<9216xf32, #tpu.memory_space<vmem>>, vector<16xf32>,
        %get3A_116 = vector.shape_cast %get3A_115 : vector<16xf32> to vector<16xf32>
        %add3A_117 = arith.constant 64 : i32
        %add3A_118 = arith.addi %mul3A_97, %add3A_117 : i32
        %get3A_119 = arith.index_cast %add3A_118 : i32 to index
        %get3A_120 = tpu.vector_load %arg8[%get3A_119] {strides = array<i32>} : memref<9216xf32, #tpu.memory_space<vmem>>, vector<16xf32>,
        %get3A_121 = vector.shape_cast %get3A_120 : vector<16xf32> to vector<16xf32>
        %add3A_122 = arith.constant 80 : i32
        %add3A_123 = arith.addi %mul3A_97, %add3A_122 : i32
        %get3A_124 = arith.index_cast %add3A_123 : i32 to index
        %get3A_125 = tpu.vector_load %arg8[%get3A_124] {strides = array<i32>} : memref<9216xf32, #tpu.memory_space<vmem>>, vector<16xf32>,
        %get3A_126 = vector.shape_cast %get3A_125 : vector<16xf32> to vector<16xf32>
        %add3A_127 = arith.constant 96 : i32
        %add3A_128 = arith.addi %mul3A_97, %add3A_127 : i32
        %get3A_129 = arith.index_cast %add3A_128 : i32 to index
        %get3A_130 = tpu.vector_load %arg8[%get3A_129] {strides = array<i32>} : memref<9216xf32, #tpu.memory_space<vmem>>, vector<16xf32>,
        %get3A_131 = vector.shape_cast %get3A_130 : vector<16xf32> to vector<16xf32>
        %add3A_132 = arith.constant 112 : i32
        %add3A_133 = arith.addi %mul3A_97, %add3A_132 : i32
        %get3A_134 = arith.index_cast %add3A_133 : i32 to index
        %get3A_135 = tpu.vector_load %arg8[%get3A_134] {strides = array<i32>} : memref<9216xf32, #tpu.memory_space<vmem>>, vector<16xf32>,
        %get3A_136 = vector.shape_cast %get3A_135 : vector<16xf32> to vector<16xf32>
        %add3A_137 = arith.constant 128 : i32
        %add3A_138 = arith.addi %mul3A_97, %add3A_137 : i32
        %get3A_139 = arith.index_cast %add3A_138 : i32 to index
        %get3A_140 = tpu.vector_load %arg8[%get3A_139] {strides = array<i32>} : memref<9216xf32, #tpu.memory_space<vmem>>, vector<16xf32>,
        %get3A_141 = vector.shape_cast %get3A_140 : vector<16xf32> to vector<16xf32>
        %sub3A = arith.constant 5.000000e-01 : f32
        %sub3A_142 = vector.broadcast %sub3A : f32 to vector<16xf32>
        %sub3A_143 = arith.subf %get3A_141, %sub3A_142 : vector<16xf32>
        %mul3A_144 = arith.mulf %get3A_121, %get3A_111 : vector<16xf32>
        %mul3A_145 = arith.mulf %get3A_131, %get3A_116 : vector<16xf32>
        %sub3A_146 = arith.subf %mul3A_144, %mul3A_145 : vector<16xf32>
        %add3A_147 = arith.addf %sub3A_146, %get3A_101 : vector<16xf32>
        %mul3A_148 = arith.mulf %get3A_121, %get3A_116 : vector<16xf32>
        %mul3A_149 = arith.mulf %get3A_131, %get3A_111 : vector<16xf32>
        %add3A_150 = arith.addf %mul3A_148, %mul3A_149 : vector<16xf32>
        %add3A_151 = arith.addf %add3A_150, %get3A_106 : vector<16xf32>
        %mul3A_152 = arith.mulf %get3A_121, %get3A_111 : vector<16xf32>
        %mul3A_153 = arith.mulf %get3A_136, %get3A_116 : vector<16xf32>
        %sub3A_154 = arith.subf %mul3A_152, %mul3A_153 : vector<16xf32>
        %add3A_155 = arith.addf %sub3A_154, %get3A_101 : vector<16xf32>
        %mul3A_156 = arith.mulf %get3A_121, %get3A_116 : vector<16xf32>
        %mul3A_157 = arith.mulf %get3A_136, %get3A_111 : vector<16xf32>
        %add3A_158 = arith.addf %mul3A_156, %mul3A_157 : vector<16xf32>
        %add3A_159 = arith.addf %add3A_158, %get3A_106 : vector<16xf32>
        %mul3A_160 = arith.mulf %get3A_126, %get3A_111 : vector<16xf32>
        %mul3A_161 = arith.mulf %get3A_136, %get3A_116 : vector<16xf32>
        %sub3A_162 = arith.subf %mul3A_160, %mul3A_161 : vector<16xf32>
        %add3A_163 = arith.addf %sub3A_162, %get3A_101 : vector<16xf32>
        %mul3A_164 = arith.mulf %get3A_126, %get3A_116 : vector<16xf32>
        %mul3A_165 = arith.mulf %get3A_136, %get3A_111 : vector<16xf32>
        %add3A_166 = arith.addf %mul3A_164, %mul3A_165 : vector<16xf32>
        %add3A_167 = arith.addf %add3A_166, %get3A_106 : vector<16xf32>
        %mul3A_168 = arith.mulf %get3A_126, %get3A_111 : vector<16xf32>
        %mul3A_169 = arith.mulf %get3A_131, %get3A_116 : vector<16xf32>
        %sub3A_170 = arith.subf %mul3A_168, %mul3A_169 : vector<16xf32>
        %add3A_171 = arith.addf %sub3A_170, %get3A_101 : vector<16xf32>
        %mul3A_172 = arith.mulf %get3A_126, %get3A_116 : vector<16xf32>
        %mul3A_173 = arith.mulf %get3A_131, %get3A_111 : vector<16xf32>
        %add3A_174 = arith.addf %mul3A_172, %mul3A_173 : vector<16xf32>
        %add3A_175 = arith.addf %add3A_174, %get3A_106 : vector<16xf32>
        %scan3A_176 = arith.constant 0 : i32
        %scan3A_177 = arith.constant 2 : i32
        %scan3A_178 = arith.addi %scan3A_176, %scan3A_177 : i32
        %scan3A_179 = arith.constant 1 : i32
        %scan3A_180 = scf.for %scan3A_182 = %scan3A_176 to %scan3A_178 step %scan3A_179 iter_args(%scan3A_183 = %scan3A_92) -> (vector<16xf32>)  : i32 {
          %mul3A_184 = arith.constant 32 : i32
          %mul3A_185 = arith.muli %scan3A_182, %mul3A_184 : i32
          %add3A_186 = arith.addi %mul3A_23, %mul3A_185 : i32
          %add3A_187 = arith.constant 0 : i32
          %add3A_188 = arith.addi %add3A_187, %add3A_186 : i32
          %get3A_189 = arith.index_cast %add3A_188 : i32 to index
          %get3A_190 = tpu.vector_load %arg7[%get3A_189] {strides = array<i32>} : memref<1024xf32, #tpu.memory_space<vmem>>, vector<16xf32>,
          %get3A_191 = vector.shape_cast %get3A_190 : vector<16xf32> to vector<16xf32>
          %add3A_192 = arith.constant 256 : i32
          %add3A_193 = arith.addi %add3A_192, %add3A_186 : i32
          %get3A_194 = arith.index_cast %add3A_193 : i32 to index
          %get3A_195 = tpu.vector_load %arg7[%get3A_194] {strides = array<i32>} : memref<1024xf32, #tpu.memory_space<vmem>>, vector<16xf32>,
          %get3A_196 = vector.shape_cast %get3A_195 : vector<16xf32> to vector<16xf32>
          %add3A_197 = arith.constant 512 : i32
          %add3A_198 = arith.addi %add3A_197, %add3A_186 : i32
          %get3A_199 = arith.index_cast %add3A_198 : i32 to index
          %get3A_200 = tpu.vector_load %arg7[%get3A_199] {strides = array<i32>} : memref<1024xf32, #tpu.memory_space<vmem>>, vector<16xf32>,
          %get3A_201 = vector.shape_cast %get3A_200 : vector<16xf32> to vector<16xf32>
          %add3A_202 = arith.constant 768 : i32
          %add3A_203 = arith.addi %add3A_202, %add3A_186 : i32
          %get3A_204 = arith.index_cast %add3A_203 : i32 to index
          %get3A_205 = tpu.vector_load %arg7[%get3A_204] {strides = array<i32>} : memref<1024xf32, #tpu.memory_space<vmem>>, vector<16xf32>,
          %get3A_206 = vector.shape_cast %get3A_205 : vector<16xf32> to vector<16xf32>
          %add3A_207 = arith.constant 1 : i32
          %add3A_208 = arith.addi %add3A_207, %scan3A_91 : i32
          %mul3A_209 = arith.constant 256 : i32
          %mul3A_210 = arith.muli %add3A_208, %mul3A_209 : i32
          %add3A_211 = arith.addi %mul3A_210, %add3A_186 : i32
          %get3A_212 = arith.index_cast %add3A_211 : i32 to index
          %get3A_213 = tpu.vector_load %arg6[%get3A_212] {strides = array<i32>} : memref<20992xf32, #tpu.memory_space<vmem>>, vector<16xf32>,
          %get3A_214 = vector.shape_cast %get3A_213 : vector<16xf32> to vector<16xf32>
          %add3A_215 = arith.constant 0 : i32
          %add3A_216 = arith.addi %add3A_215, %scan3A_91 : i32
          %mul3A_217 = arith.constant 256 : i32
          %mul3A_218 = arith.muli %add3A_216, %mul3A_217 : i32
          %add3A_219 = arith.addi %mul3A_218, %add3A_186 : i32
          %get3A_220 = arith.index_cast %add3A_219 : i32 to index
          %get3A_221 = tpu.vector_load %arg6[%get3A_220] {strides = array<i32>} : memref<20992xf32, #tpu.memory_space<vmem>>, vector<16xf32>,
          %get3A_222 = vector.shape_cast %get3A_221 : vector<16xf32> to vector<16xf32>
          %add3A_223 = arith.constant 18 : i32
          %add3A_224 = arith.addi %add3A_223, %scan3A_91 : i32
          %mul3A_225 = arith.constant 256 : i32
          %mul3A_226 = arith.muli %add3A_224, %mul3A_225 : i32
          %add3A_227 = arith.addi %mul3A_226, %add3A_186 : i32
          %get3A_228 = arith.index_cast %add3A_227 : i32 to index
          %get3A_229 = tpu.vector_load %arg6[%get3A_228] {strides = array<i32>} : memref<20992xf32, #tpu.memory_space<vmem>>, vector<16xf32>,
          %get3A_230 = vector.shape_cast %get3A_229 : vector<16xf32> to vector<16xf32>
          %add3A_231 = arith.constant 17 : i32
          %add3A_232 = arith.addi %add3A_231, %scan3A_91 : i32
          %mul3A_233 = arith.constant 256 : i32
          %mul3A_234 = arith.muli %add3A_232, %mul3A_233 : i32
          %add3A_235 = arith.addi %mul3A_234, %add3A_186 : i32
          %get3A_236 = arith.index_cast %add3A_235 : i32 to index
          %get3A_237 = tpu.vector_load %arg6[%get3A_236] {strides = array<i32>} : memref<20992xf32, #tpu.memory_space<vmem>>, vector<16xf32>,
          %get3A_238 = vector.shape_cast %get3A_237 : vector<16xf32> to vector<16xf32>
          %add3A_239 = arith.constant 34 : i32
          %add3A_240 = arith.addi %add3A_239, %scan3A_91 : i32
          %mul3A_241 = arith.constant 256 : i32
          %mul3A_242 = arith.muli %add3A_240, %mul3A_241 : i32
          %add3A_243 = arith.addi %mul3A_242, %add3A_186 : i32
          %get3A_244 = arith.index_cast %add3A_243 : i32 to index
          %get3A_245 = tpu.vector_load %arg6[%get3A_244] {strides = array<i32>} : memref<20992xf32, #tpu.memory_space<vmem>>, vector<16xf32>,
          %get3A_246 = vector.shape_cast %get3A_245 : vector<16xf32> to vector<16xf32>
          %add3A_247 = arith.constant 50 : i32
          %add3A_248 = arith.addi %add3A_247, %scan3A_91 : i32
          %mul3A_249 = arith.constant 256 : i32
          %mul3A_250 = arith.muli %add3A_248, %mul3A_249 : i32
          %add3A_251 = arith.addi %mul3A_250, %add3A_186 : i32
          %get3A_252 = arith.index_cast %add3A_251 : i32 to index
          %get3A_253 = tpu.vector_load %arg6[%get3A_252] {strides = array<i32>} : memref<20992xf32, #tpu.memory_space<vmem>>, vector<16xf32>,
          %get3A_254 = vector.shape_cast %get3A_253 : vector<16xf32> to vector<16xf32>
          %add3A_255 = arith.constant 66 : i32
          %add3A_256 = arith.addi %add3A_255, %scan3A_91 : i32
          %mul3A_257 = arith.constant 256 : i32
          %mul3A_258 = arith.muli %add3A_256, %mul3A_257 : i32
          %add3A_259 = arith.addi %mul3A_258, %add3A_186 : i32
          %get3A_260 = arith.index_cast %add3A_259 : i32 to index
          %get3A_261 = tpu.vector_load %arg6[%get3A_260] {strides = array<i32>} : memref<20992xf32, #tpu.memory_space<vmem>>, vector<16xf32>,
          %get3A_262 = vector.shape_cast %get3A_261 : vector<16xf32> to vector<16xf32>
          %sub3A_263 = arith.subf %get3A_214, %get3A_222 : vector<16xf32>
          %div3A = arith.constant 5.000000e-01 : f32
          %div3A_264 = vector.broadcast %div3A : f32 to vector<16xf32>
          %div3A_265 = arith.divf %sub3A_263, %div3A_264 : vector<16xf32>
          %sub3A_266 = arith.subf %get3A_230, %get3A_238 : vector<16xf32>
          %div3A_267 = arith.constant 5.000000e-01 : f32
          %div3A_268 = vector.broadcast %div3A_267 : f32 to vector<16xf32>
          %div3A_269 = arith.divf %sub3A_266, %div3A_268 : vector<16xf32>
          %mul3A_270 = arith.constant 0.949999988 : f32
          %mul3A_271 = vector.broadcast %mul3A_270 : f32 to vector<16xf32>
          %mul3A_272 = arith.mulf %div3A_265, %mul3A_271 : vector<16xf32>
          %add3A_273 = arith.addf %get3A_214, %mul3A_272 : vector<16xf32>
          %mul3A_274 = arith.constant 0.949999988 : f32
          %mul3A_275 = vector.broadcast %mul3A_274 : f32 to vector<16xf32>
          %mul3A_276 = arith.mulf %div3A_269, %mul3A_275 : vector<16xf32>
          %add3A_277 = arith.addf %get3A_230, %mul3A_276 : vector<16xf32>
          %mul3A_278 = arith.mulf %get3A_191, %get3A_246 : vector<16xf32>
          %mul3A_279 = arith.mulf %get3A_201, %get3A_254 : vector<16xf32>
          %sub3A_280 = arith.subf %mul3A_278, %mul3A_279 : vector<16xf32>
          %add3A_281 = arith.addf %sub3A_280, %add3A_273 : vector<16xf32>
          %mul3A_282 = arith.mulf %get3A_191, %get3A_254 : vector<16xf32>
          %mul3A_283 = arith.mulf %get3A_201, %get3A_246 : vector<16xf32>
          %add3A_284 = arith.addf %mul3A_282, %mul3A_283 : vector<16xf32>
          %add3A_285 = arith.addf %add3A_284, %add3A_277 : vector<16xf32>
          %sub3A_286 = arith.subf %add3A_281, %get3A_101 : vector<16xf32>
          %sub3A_287 = arith.subf %add3A_285, %get3A_106 : vector<16xf32>
          %mul3A_288 = arith.mulf %sub3A_286, %get3A_111 : vector<16xf32>
          %mul3A_289 = arith.mulf %sub3A_287, %get3A_116 : vector<16xf32>
          %add3A_290 = arith.addf %mul3A_288, %mul3A_289 : vector<16xf32>
          %mul3A_291 = arith.mulf %sub3A_287, %get3A_111 : vector<16xf32>
          %mul3A_292 = arith.mulf %sub3A_286, %get3A_116 : vector<16xf32>
          %sub3A_293 = arith.subf %mul3A_291, %mul3A_292 : vector<16xf32>
          %sub3A_294 = arith.subf %get3A_121, %add3A_290 : vector<16xf32>
          %sub3A_295 = arith.subf %add3A_290, %get3A_126 : vector<16xf32>
          %min3A = arith.minimumf %sub3A_294, %sub3A_295 : vector<16xf32>
          %sub3A_296 = arith.subf %get3A_131, %sub3A_293 : vector<16xf32>
          %sub3A_297 = arith.subf %sub3A_293, %get3A_136 : vector<16xf32>
          %min3A_298 = arith.minimumf %sub3A_296, %sub3A_297 : vector<16xf32>
          %min3A_299 = arith.minimumf %min3A, %min3A_298 : vector<16xf32>
          %mul3A_300 = arith.mulf %get3A_191, %get3A_246 : vector<16xf32>
          %mul3A_301 = arith.mulf %get3A_206, %get3A_254 : vector<16xf32>
          %sub3A_302 = arith.subf %mul3A_300, %mul3A_301 : vector<16xf32>
          %add3A_303 = arith.addf %sub3A_302, %add3A_273 : vector<16xf32>
          %mul3A_304 = arith.mulf %get3A_191, %get3A_254 : vector<16xf32>
          %mul3A_305 = arith.mulf %get3A_206, %get3A_246 : vector<16xf32>
          %add3A_306 = arith.addf %mul3A_304, %mul3A_305 : vector<16xf32>
          %add3A_307 = arith.addf %add3A_306, %add3A_277 : vector<16xf32>
          %sub3A_308 = arith.subf %add3A_303, %get3A_101 : vector<16xf32>
          %sub3A_309 = arith.subf %add3A_307, %get3A_106 : vector<16xf32>
          %mul3A_310 = arith.mulf %sub3A_308, %get3A_111 : vector<16xf32>
          %mul3A_311 = arith.mulf %sub3A_309, %get3A_116 : vector<16xf32>
          %add3A_312 = arith.addf %mul3A_310, %mul3A_311 : vector<16xf32>
          %mul3A_313 = arith.mulf %sub3A_309, %get3A_111 : vector<16xf32>
          %mul3A_314 = arith.mulf %sub3A_308, %get3A_116 : vector<16xf32>
          %sub3A_315 = arith.subf %mul3A_313, %mul3A_314 : vector<16xf32>
          %sub3A_316 = arith.subf %get3A_121, %add3A_312 : vector<16xf32>
          %sub3A_317 = arith.subf %add3A_312, %get3A_126 : vector<16xf32>
          %min3A_318 = arith.minimumf %sub3A_316, %sub3A_317 : vector<16xf32>
          %sub3A_319 = arith.subf %get3A_131, %sub3A_315 : vector<16xf32>
          %sub3A_320 = arith.subf %sub3A_315, %get3A_136 : vector<16xf32>
          %min3A_321 = arith.minimumf %sub3A_319, %sub3A_320 : vector<16xf32>
          %min3A_322 = arith.minimumf %min3A_318, %min3A_321 : vector<16xf32>
          %max3A_323 = arith.maximumf %min3A_299, %min3A_322 : vector<16xf32>
          %mul3A_324 = arith.mulf %get3A_196, %get3A_246 : vector<16xf32>
          %mul3A_325 = arith.mulf %get3A_206, %get3A_254 : vector<16xf32>
          %sub3A_326 = arith.subf %mul3A_324, %mul3A_325 : vector<16xf32>
          %add3A_327 = arith.addf %sub3A_326, %add3A_273 : vector<16xf32>
          %mul3A_328 = arith.mulf %get3A_196, %get3A_254 : vector<16xf32>
          %mul3A_329 = arith.mulf %get3A_206, %get3A_246 : vector<16xf32>
          %add3A_330 = arith.addf %mul3A_328, %mul3A_329 : vector<16xf32>
          %add3A_331 = arith.addf %add3A_330, %add3A_277 : vector<16xf32>
          %sub3A_332 = arith.subf %add3A_327, %get3A_101 : vector<16xf32>
          %sub3A_333 = arith.subf %add3A_331, %get3A_106 : vector<16xf32>
          %mul3A_334 = arith.mulf %sub3A_332, %get3A_111 : vector<16xf32>
          %mul3A_335 = arith.mulf %sub3A_333, %get3A_116 : vector<16xf32>
          %add3A_336 = arith.addf %mul3A_334, %mul3A_335 : vector<16xf32>
          %mul3A_337 = arith.mulf %sub3A_333, %get3A_111 : vector<16xf32>
          %mul3A_338 = arith.mulf %sub3A_332, %get3A_116 : vector<16xf32>
          %sub3A_339 = arith.subf %mul3A_337, %mul3A_338 : vector<16xf32>
          %sub3A_340 = arith.subf %get3A_121, %add3A_336 : vector<16xf32>
          %sub3A_341 = arith.subf %add3A_336, %get3A_126 : vector<16xf32>
          %min3A_342 = arith.minimumf %sub3A_340, %sub3A_341 : vector<16xf32>
          %sub3A_343 = arith.subf %get3A_131, %sub3A_339 : vector<16xf32>
          %sub3A_344 = arith.subf %sub3A_339, %get3A_136 : vector<16xf32>
          %min3A_345 = arith.minimumf %sub3A_343, %sub3A_344 : vector<16xf32>
          %min3A_346 = arith.minimumf %min3A_342, %min3A_345 : vector<16xf32>
          %max3A_347 = arith.maximumf %max3A_323, %min3A_346 : vector<16xf32>
          %mul3A_348 = arith.mulf %get3A_196, %get3A_246 : vector<16xf32>
          %mul3A_349 = arith.mulf %get3A_201, %get3A_254 : vector<16xf32>
          %sub3A_350 = arith.subf %mul3A_348, %mul3A_349 : vector<16xf32>
          %add3A_351 = arith.addf %sub3A_350, %add3A_273 : vector<16xf32>
          %mul3A_352 = arith.mulf %get3A_196, %get3A_254 : vector<16xf32>
          %mul3A_353 = arith.mulf %get3A_201, %get3A_246 : vector<16xf32>
          %add3A_354 = arith.addf %mul3A_352, %mul3A_353 : vector<16xf32>
          %add3A_355 = arith.addf %add3A_354, %add3A_277 : vector<16xf32>
          %sub3A_356 = arith.subf %add3A_351, %get3A_101 : vector<16xf32>
          %sub3A_357 = arith.subf %add3A_355, %get3A_106 : vector<16xf32>
          %mul3A_358 = arith.mulf %sub3A_356, %get3A_111 : vector<16xf32>
          %mul3A_359 = arith.mulf %sub3A_357, %get3A_116 : vector<16xf32>
          %add3A_360 = arith.addf %mul3A_358, %mul3A_359 : vector<16xf32>
          %mul3A_361 = arith.mulf %sub3A_357, %get3A_111 : vector<16xf32>
          %mul3A_362 = arith.mulf %sub3A_356, %get3A_116 : vector<16xf32>
          %sub3A_363 = arith.subf %mul3A_361, %mul3A_362 : vector<16xf32>
          %sub3A_364 = arith.subf %get3A_121, %add3A_360 : vector<16xf32>
          %sub3A_365 = arith.subf %add3A_360, %get3A_126 : vector<16xf32>
          %min3A_366 = arith.minimumf %sub3A_364, %sub3A_365 : vector<16xf32>
          %sub3A_367 = arith.subf %get3A_131, %sub3A_363 : vector<16xf32>
          %sub3A_368 = arith.subf %sub3A_363, %get3A_136 : vector<16xf32>
          %min3A_369 = arith.minimumf %sub3A_367, %sub3A_368 : vector<16xf32>
          %min3A_370 = arith.minimumf %min3A_366, %min3A_369 : vector<16xf32>
          %max3A_371 = arith.maximumf %max3A_347, %min3A_370 : vector<16xf32>
          %sub3A_372 = arith.subf %add3A_147, %add3A_273 : vector<16xf32>
          %sub3A_373 = arith.subf %add3A_151, %add3A_277 : vector<16xf32>
          %mul3A_374 = arith.mulf %sub3A_372, %get3A_246 : vector<16xf32>
          %mul3A_375 = arith.mulf %sub3A_373, %get3A_254 : vector<16xf32>
          %add3A_376 = arith.addf %mul3A_374, %mul3A_375 : vector<16xf32>
          %mul3A_377 = arith.mulf %sub3A_373, %get3A_246 : vector<16xf32>
          %mul3A_378 = arith.mulf %sub3A_372, %get3A_254 : vector<16xf32>
          %sub3A_379 = arith.subf %mul3A_377, %mul3A_378 : vector<16xf32>
          %sub3A_380 = arith.subf %get3A_191, %add3A_376 : vector<16xf32>
          %sub3A_381 = arith.subf %add3A_376, %get3A_196 : vector<16xf32>
          %min3A_382 = arith.minimumf %sub3A_380, %sub3A_381 : vector<16xf32>
          %sub3A_383 = arith.subf %get3A_201, %sub3A_379 : vector<16xf32>
          %sub3A_384 = arith.subf %sub3A_379, %get3A_206 : vector<16xf32>
          %min3A_385 = arith.minimumf %sub3A_383, %sub3A_384 : vector<16xf32>
          %min3A_386 = arith.minimumf %min3A_382, %min3A_385 : vector<16xf32>
          %max3A_387 = arith.maximumf %max3A_371, %min3A_386 : vector<16xf32>
          %sub3A_388 = arith.subf %add3A_155, %add3A_273 : vector<16xf32>
          %sub3A_389 = arith.subf %add3A_159, %add3A_277 : vector<16xf32>
          %mul3A_390 = arith.mulf %sub3A_388, %get3A_246 : vector<16xf32>
          %mul3A_391 = arith.mulf %sub3A_389, %get3A_254 : vector<16xf32>
          %add3A_392 = arith.addf %mul3A_390, %mul3A_391 : vector<16xf32>
          %mul3A_393 = arith.mulf %sub3A_389, %get3A_246 : vector<16xf32>
          %mul3A_394 = arith.mulf %sub3A_388, %get3A_254 : vector<16xf32>
          %sub3A_395 = arith.subf %mul3A_393, %mul3A_394 : vector<16xf32>
          %sub3A_396 = arith.subf %get3A_191, %add3A_392 : vector<16xf32>
          %sub3A_397 = arith.subf %add3A_392, %get3A_196 : vector<16xf32>
          %min3A_398 = arith.minimumf %sub3A_396, %sub3A_397 : vector<16xf32>
          %sub3A_399 = arith.subf %get3A_201, %sub3A_395 : vector<16xf32>
          %sub3A_400 = arith.subf %sub3A_395, %get3A_206 : vector<16xf32>
          %min3A_401 = arith.minimumf %sub3A_399, %sub3A_400 : vector<16xf32>
          %min3A_402 = arith.minimumf %min3A_398, %min3A_401 : vector<16xf32>
          %max3A_403 = arith.maximumf %max3A_387, %min3A_402 : vector<16xf32>
          %sub3A_404 = arith.subf %add3A_163, %add3A_273 : vector<16xf32>
          %sub3A_405 = arith.subf %add3A_167, %add3A_277 : vector<16xf32>
          %mul3A_406 = arith.mulf %sub3A_404, %get3A_246 : vector<16xf32>
          %mul3A_407 = arith.mulf %sub3A_405, %get3A_254 : vector<16xf32>
          %add3A_408 = arith.addf %mul3A_406, %mul3A_407 : vector<16xf32>
          %mul3A_409 = arith.mulf %sub3A_405, %get3A_246 : vector<16xf32>
          %mul3A_410 = arith.mulf %sub3A_404, %get3A_254 : vector<16xf32>
          %sub3A_411 = arith.subf %mul3A_409, %mul3A_410 : vector<16xf32>
          %sub3A_412 = arith.subf %get3A_191, %add3A_408 : vector<16xf32>
          %sub3A_413 = arith.subf %add3A_408, %get3A_196 : vector<16xf32>
          %min3A_414 = arith.minimumf %sub3A_412, %sub3A_413 : vector<16xf32>
          %sub3A_415 = arith.subf %get3A_201, %sub3A_411 : vector<16xf32>
          %sub3A_416 = arith.subf %sub3A_411, %get3A_206 : vector<16xf32>
          %min3A_417 = arith.minimumf %sub3A_415, %sub3A_416 : vector<16xf32>
          %min3A_418 = arith.minimumf %min3A_414, %min3A_417 : vector<16xf32>
          %max3A_419 = arith.maximumf %max3A_403, %min3A_418 : vector<16xf32>
          %sub3A_420 = arith.subf %add3A_171, %add3A_273 : vector<16xf32>
          %sub3A_421 = arith.subf %add3A_175, %add3A_277 : vector<16xf32>
          %mul3A_422 = arith.mulf %sub3A_420, %get3A_246 : vector<16xf32>
          %mul3A_423 = arith.mulf %sub3A_421, %get3A_254 : vector<16xf32>
          %add3A_424 = arith.addf %mul3A_422, %mul3A_423 : vector<16xf32>
          %mul3A_425 = arith.mulf %sub3A_421, %get3A_246 : vector<16xf32>
          %mul3A_426 = arith.mulf %sub3A_420, %get3A_254 : vector<16xf32>
          %sub3A_427 = arith.subf %mul3A_425, %mul3A_426 : vector<16xf32>
          %sub3A_428 = arith.subf %get3A_191, %add3A_424 : vector<16xf32>
          %sub3A_429 = arith.subf %add3A_424, %get3A_196 : vector<16xf32>
          %min3A_430 = arith.minimumf %sub3A_428, %sub3A_429 : vector<16xf32>
          %sub3A_431 = arith.subf %get3A_201, %sub3A_427 : vector<16xf32>
          %sub3A_432 = arith.subf %sub3A_427, %get3A_206 : vector<16xf32>
          %min3A_433 = arith.minimumf %sub3A_431, %sub3A_432 : vector<16xf32>
          %min3A_434 = arith.minimumf %min3A_430, %min3A_433 : vector<16xf32>
          %max3A_435 = arith.maximumf %max3A_419, %min3A_434 : vector<16xf32>
          %min3A_436 = arith.minimumf %max3A_435, %sub3A_143 : vector<16xf32>
          %sub3A_437 = arith.constant 5.000000e-01 : f32
          %sub3A_438 = vector.broadcast %sub3A_437 : f32 to vector<16xf32>
          %sub3A_439 = arith.subf %get3A_262, %sub3A_438 : vector<16xf32>
          %min3A_440 = arith.minimumf %min3A_436, %sub3A_439 : vector<16xf32>
          %add3A_441 = arith.constant 16 : i32
          %add3A_442 = arith.addi %add3A_186, %add3A_441 : i32
          %add3A_443 = arith.constant 0 : i32
          %add3A_444 = arith.addi %add3A_443, %add3A_442 : i32
          %get3A_445 = arith.index_cast %add3A_444 : i32 to index
          %get3A_446 = tpu.vector_load %arg7[%get3A_445] {strides = array<i32>} : memref<1024xf32, #tpu.memory_space<vmem>>, vector<16xf32>,
          %get3A_447 = vector.shape_cast %get3A_446 : vector<16xf32> to vector<16xf32>
          %add3A_448 = arith.constant 256 : i32
          %add3A_449 = arith.addi %add3A_448, %add3A_442 : i32
          %get3A_450 = arith.index_cast %add3A_449 : i32 to index
          %get3A_451 = tpu.vector_load %arg7[%get3A_450] {strides = array<i32>} : memref<1024xf32, #tpu.memory_space<vmem>>, vector<16xf32>,
          %get3A_452 = vector.shape_cast %get3A_451 : vector<16xf32> to vector<16xf32>
          %add3A_453 = arith.constant 512 : i32
          %add3A_454 = arith.addi %add3A_453, %add3A_442 : i32
          %get3A_455 = arith.index_cast %add3A_454 : i32 to index
          %get3A_456 = tpu.vector_load %arg7[%get3A_455] {strides = array<i32>} : memref<1024xf32, #tpu.memory_space<vmem>>, vector<16xf32>,
          %get3A_457 = vector.shape_cast %get3A_456 : vector<16xf32> to vector<16xf32>
          %add3A_458 = arith.constant 768 : i32
          %add3A_459 = arith.addi %add3A_458, %add3A_442 : i32
          %get3A_460 = arith.index_cast %add3A_459 : i32 to index
          %get3A_461 = tpu.vector_load %arg7[%get3A_460] {strides = array<i32>} : memref<1024xf32, #tpu.memory_space<vmem>>, vector<16xf32>,
          %get3A_462 = vector.shape_cast %get3A_461 : vector<16xf32> to vector<16xf32>
          %add3A_463 = arith.constant 1 : i32
          %add3A_464 = arith.addi %add3A_463, %scan3A_91 : i32
          %mul3A_465 = arith.constant 256 : i32
          %mul3A_466 = arith.muli %add3A_464, %mul3A_465 : i32
          %add3A_467 = arith.addi %mul3A_466, %add3A_442 : i32
          %get3A_468 = arith.index_cast %add3A_467 : i32 to index
          %get3A_469 = tpu.vector_load %arg6[%get3A_468] {strides = array<i32>} : memref<20992xf32, #tpu.memory_space<vmem>>, vector<16xf32>,
          %get3A_470 = vector.shape_cast %get3A_469 : vector<16xf32> to vector<16xf32>
          %add3A_471 = arith.constant 0 : i32
          %add3A_472 = arith.addi %add3A_471, %scan3A_91 : i32
          %mul3A_473 = arith.constant 256 : i32
          %mul3A_474 = arith.muli %add3A_472, %mul3A_473 : i32
          %add3A_475 = arith.addi %mul3A_474, %add3A_442 : i32
          %get3A_476 = arith.index_cast %add3A_475 : i32 to index
          %get3A_477 = tpu.vector_load %arg6[%get3A_476] {strides = array<i32>} : memref<20992xf32, #tpu.memory_space<vmem>>, vector<16xf32>,
          %get3A_478 = vector.shape_cast %get3A_477 : vector<16xf32> to vector<16xf32>
          %add3A_479 = arith.constant 18 : i32
          %add3A_480 = arith.addi %add3A_479, %scan3A_91 : i32
          %mul3A_481 = arith.constant 256 : i32
          %mul3A_482 = arith.muli %add3A_480, %mul3A_481 : i32
          %add3A_483 = arith.addi %mul3A_482, %add3A_442 : i32
          %get3A_484 = arith.index_cast %add3A_483 : i32 to index
          %get3A_485 = tpu.vector_load %arg6[%get3A_484] {strides = array<i32>} : memref<20992xf32, #tpu.memory_space<vmem>>, vector<16xf32>,
          %get3A_486 = vector.shape_cast %get3A_485 : vector<16xf32> to vector<16xf32>
          %add3A_487 = arith.constant 17 : i32
          %add3A_488 = arith.addi %add3A_487, %scan3A_91 : i32
          %mul3A_489 = arith.constant 256 : i32
          %mul3A_490 = arith.muli %add3A_488, %mul3A_489 : i32
          %add3A_491 = arith.addi %mul3A_490, %add3A_442 : i32
          %get3A_492 = arith.index_cast %add3A_491 : i32 to index
          %get3A_493 = tpu.vector_load %arg6[%get3A_492] {strides = array<i32>} : memref<20992xf32, #tpu.memory_space<vmem>>, vector<16xf32>,
          %get3A_494 = vector.shape_cast %get3A_493 : vector<16xf32> to vector<16xf32>
          %add3A_495 = arith.constant 34 : i32
          %add3A_496 = arith.addi %add3A_495, %scan3A_91 : i32
          %mul3A_497 = arith.constant 256 : i32
          %mul3A_498 = arith.muli %add3A_496, %mul3A_497 : i32
          %add3A_499 = arith.addi %mul3A_498, %add3A_442 : i32
          %get3A_500 = arith.index_cast %add3A_499 : i32 to index
          %get3A_501 = tpu.vector_load %arg6[%get3A_500] {strides = array<i32>} : memref<20992xf32, #tpu.memory_space<vmem>>, vector<16xf32>,
          %get3A_502 = vector.shape_cast %get3A_501 : vector<16xf32> to vector<16xf32>
          %add3A_503 = arith.constant 50 : i32
          %add3A_504 = arith.addi %add3A_503, %scan3A_91 : i32
          %mul3A_505 = arith.constant 256 : i32
          %mul3A_506 = arith.muli %add3A_504, %mul3A_505 : i32
          %add3A_507 = arith.addi %mul3A_506, %add3A_442 : i32
          %get3A_508 = arith.index_cast %add3A_507 : i32 to index
          %get3A_509 = tpu.vector_load %arg6[%get3A_508] {strides = array<i32>} : memref<20992xf32, #tpu.memory_space<vmem>>, vector<16xf32>,
          %get3A_510 = vector.shape_cast %get3A_509 : vector<16xf32> to vector<16xf32>
          %add3A_511 = arith.constant 66 : i32
          %add3A_512 = arith.addi %add3A_511, %scan3A_91 : i32
          %mul3A_513 = arith.constant 256 : i32
          %mul3A_514 = arith.muli %add3A_512, %mul3A_513 : i32
          %add3A_515 = arith.addi %mul3A_514, %add3A_442 : i32
          %get3A_516 = arith.index_cast %add3A_515 : i32 to index
          %get3A_517 = tpu.vector_load %arg6[%get3A_516] {strides = array<i32>} : memref<20992xf32, #tpu.memory_space<vmem>>, vector<16xf32>,
          %get3A_518 = vector.shape_cast %get3A_517 : vector<16xf32> to vector<16xf32>
          %sub3A_519 = arith.subf %get3A_470, %get3A_478 : vector<16xf32>
          %div3A_520 = arith.constant 5.000000e-01 : f32
          %div3A_521 = vector.broadcast %div3A_520 : f32 to vector<16xf32>
          %div3A_522 = arith.divf %sub3A_519, %div3A_521 : vector<16xf32>
          %sub3A_523 = arith.subf %get3A_486, %get3A_494 : vector<16xf32>
          %div3A_524 = arith.constant 5.000000e-01 : f32
          %div3A_525 = vector.broadcast %div3A_524 : f32 to vector<16xf32>
          %div3A_526 = arith.divf %sub3A_523, %div3A_525 : vector<16xf32>
          %mul3A_527 = arith.constant 0.949999988 : f32
          %mul3A_528 = vector.broadcast %mul3A_527 : f32 to vector<16xf32>
          %mul3A_529 = arith.mulf %div3A_522, %mul3A_528 : vector<16xf32>
          %add3A_530 = arith.addf %get3A_470, %mul3A_529 : vector<16xf32>
          %mul3A_531 = arith.constant 0.949999988 : f32
          %mul3A_532 = vector.broadcast %mul3A_531 : f32 to vector<16xf32>
          %mul3A_533 = arith.mulf %div3A_526, %mul3A_532 : vector<16xf32>
          %add3A_534 = arith.addf %get3A_486, %mul3A_533 : vector<16xf32>
          %mul3A_535 = arith.mulf %get3A_447, %get3A_502 : vector<16xf32>
          %mul3A_536 = arith.mulf %get3A_457, %get3A_510 : vector<16xf32>
          %sub3A_537 = arith.subf %mul3A_535, %mul3A_536 : vector<16xf32>
          %add3A_538 = arith.addf %sub3A_537, %add3A_530 : vector<16xf32>
          %mul3A_539 = arith.mulf %get3A_447, %get3A_510 : vector<16xf32>
          %mul3A_540 = arith.mulf %get3A_457, %get3A_502 : vector<16xf32>
          %add3A_541 = arith.addf %mul3A_539, %mul3A_540 : vector<16xf32>
          %add3A_542 = arith.addf %add3A_541, %add3A_534 : vector<16xf32>
          %sub3A_543 = arith.subf %add3A_538, %get3A_101 : vector<16xf32>
          %sub3A_544 = arith.subf %add3A_542, %get3A_106 : vector<16xf32>
          %mul3A_545 = arith.mulf %sub3A_543, %get3A_111 : vector<16xf32>
          %mul3A_546 = arith.mulf %sub3A_544, %get3A_116 : vector<16xf32>
          %add3A_547 = arith.addf %mul3A_545, %mul3A_546 : vector<16xf32>
          %mul3A_548 = arith.mulf %sub3A_544, %get3A_111 : vector<16xf32>
          %mul3A_549 = arith.mulf %sub3A_543, %get3A_116 : vector<16xf32>
          %sub3A_550 = arith.subf %mul3A_548, %mul3A_549 : vector<16xf32>
          %sub3A_551 = arith.subf %get3A_121, %add3A_547 : vector<16xf32>
          %sub3A_552 = arith.subf %add3A_547, %get3A_126 : vector<16xf32>
          %min3A_553 = arith.minimumf %sub3A_551, %sub3A_552 : vector<16xf32>
          %sub3A_554 = arith.subf %get3A_131, %sub3A_550 : vector<16xf32>
          %sub3A_555 = arith.subf %sub3A_550, %get3A_136 : vector<16xf32>
          %min3A_556 = arith.minimumf %sub3A_554, %sub3A_555 : vector<16xf32>
          %min3A_557 = arith.minimumf %min3A_553, %min3A_556 : vector<16xf32>
          %mul3A_558 = arith.mulf %get3A_447, %get3A_502 : vector<16xf32>
          %mul3A_559 = arith.mulf %get3A_462, %get3A_510 : vector<16xf32>
          %sub3A_560 = arith.subf %mul3A_558, %mul3A_559 : vector<16xf32>
          %add3A_561 = arith.addf %sub3A_560, %add3A_530 : vector<16xf32>
          %mul3A_562 = arith.mulf %get3A_447, %get3A_510 : vector<16xf32>
          %mul3A_563 = arith.mulf %get3A_462, %get3A_502 : vector<16xf32>
          %add3A_564 = arith.addf %mul3A_562, %mul3A_563 : vector<16xf32>
          %add3A_565 = arith.addf %add3A_564, %add3A_534 : vector<16xf32>
          %sub3A_566 = arith.subf %add3A_561, %get3A_101 : vector<16xf32>
          %sub3A_567 = arith.subf %add3A_565, %get3A_106 : vector<16xf32>
          %mul3A_568 = arith.mulf %sub3A_566, %get3A_111 : vector<16xf32>
          %mul3A_569 = arith.mulf %sub3A_567, %get3A_116 : vector<16xf32>
          %add3A_570 = arith.addf %mul3A_568, %mul3A_569 : vector<16xf32>
          %mul3A_571 = arith.mulf %sub3A_567, %get3A_111 : vector<16xf32>
          %mul3A_572 = arith.mulf %sub3A_566, %get3A_116 : vector<16xf32>
          %sub3A_573 = arith.subf %mul3A_571, %mul3A_572 : vector<16xf32>
          %sub3A_574 = arith.subf %get3A_121, %add3A_570 : vector<16xf32>
          %sub3A_575 = arith.subf %add3A_570, %get3A_126 : vector<16xf32>
          %min3A_576 = arith.minimumf %sub3A_574, %sub3A_575 : vector<16xf32>
          %sub3A_577 = arith.subf %get3A_131, %sub3A_573 : vector<16xf32>
          %sub3A_578 = arith.subf %sub3A_573, %get3A_136 : vector<16xf32>
          %min3A_579 = arith.minimumf %sub3A_577, %sub3A_578 : vector<16xf32>
          %min3A_580 = arith.minimumf %min3A_576, %min3A_579 : vector<16xf32>
          %max3A_581 = arith.maximumf %min3A_557, %min3A_580 : vector<16xf32>
          %mul3A_582 = arith.mulf %get3A_452, %get3A_502 : vector<16xf32>
          %mul3A_583 = arith.mulf %get3A_462, %get3A_510 : vector<16xf32>
          %sub3A_584 = arith.subf %mul3A_582, %mul3A_583 : vector<16xf32>
          %add3A_585 = arith.addf %sub3A_584, %add3A_530 : vector<16xf32>
          %mul3A_586 = arith.mulf %get3A_452, %get3A_510 : vector<16xf32>
          %mul3A_587 = arith.mulf %get3A_462, %get3A_502 : vector<16xf32>
          %add3A_588 = arith.addf %mul3A_586, %mul3A_587 : vector<16xf32>
          %add3A_589 = arith.addf %add3A_588, %add3A_534 : vector<16xf32>
          %sub3A_590 = arith.subf %add3A_585, %get3A_101 : vector<16xf32>
          %sub3A_591 = arith.subf %add3A_589, %get3A_106 : vector<16xf32>
          %mul3A_592 = arith.mulf %sub3A_590, %get3A_111 : vector<16xf32>
          %mul3A_593 = arith.mulf %sub3A_591, %get3A_116 : vector<16xf32>
          %add3A_594 = arith.addf %mul3A_592, %mul3A_593 : vector<16xf32>
          %mul3A_595 = arith.mulf %sub3A_591, %get3A_111 : vector<16xf32>
          %mul3A_596 = arith.mulf %sub3A_590, %get3A_116 : vector<16xf32>
          %sub3A_597 = arith.subf %mul3A_595, %mul3A_596 : vector<16xf32>
          %sub3A_598 = arith.subf %get3A_121, %add3A_594 : vector<16xf32>
          %sub3A_599 = arith.subf %add3A_594, %get3A_126 : vector<16xf32>
          %min3A_600 = arith.minimumf %sub3A_598, %sub3A_599 : vector<16xf32>
          %sub3A_601 = arith.subf %get3A_131, %sub3A_597 : vector<16xf32>
          %sub3A_602 = arith.subf %sub3A_597, %get3A_136 : vector<16xf32>
          %min3A_603 = arith.minimumf %sub3A_601, %sub3A_602 : vector<16xf32>
          %min3A_604 = arith.minimumf %min3A_600, %min3A_603 : vector<16xf32>
          %max3A_605 = arith.maximumf %max3A_581, %min3A_604 : vector<16xf32>
          %mul3A_606 = arith.mulf %get3A_452, %get3A_502 : vector<16xf32>
          %mul3A_607 = arith.mulf %get3A_457, %get3A_510 : vector<16xf32>
          %sub3A_608 = arith.subf %mul3A_606, %mul3A_607 : vector<16xf32>
          %add3A_609 = arith.addf %sub3A_608, %add3A_530 : vector<16xf32>
          %mul3A_610 = arith.mulf %get3A_452, %get3A_510 : vector<16xf32>
          %mul3A_611 = arith.mulf %get3A_457, %get3A_502 : vector<16xf32>
          %add3A_612 = arith.addf %mul3A_610, %mul3A_611 : vector<16xf32>
          %add3A_613 = arith.addf %add3A_612, %add3A_534 : vector<16xf32>
          %sub3A_614 = arith.subf %add3A_609, %get3A_101 : vector<16xf32>
          %sub3A_615 = arith.subf %add3A_613, %get3A_106 : vector<16xf32>
          %mul3A_616 = arith.mulf %sub3A_614, %get3A_111 : vector<16xf32>
          %mul3A_617 = arith.mulf %sub3A_615, %get3A_116 : vector<16xf32>
          %add3A_618 = arith.addf %mul3A_616, %mul3A_617 : vector<16xf32>
          %mul3A_619 = arith.mulf %sub3A_615, %get3A_111 : vector<16xf32>
          %mul3A_620 = arith.mulf %sub3A_614, %get3A_116 : vector<16xf32>
          %sub3A_621 = arith.subf %mul3A_619, %mul3A_620 : vector<16xf32>
          %sub3A_622 = arith.subf %get3A_121, %add3A_618 : vector<16xf32>
          %sub3A_623 = arith.subf %add3A_618, %get3A_126 : vector<16xf32>
          %min3A_624 = arith.minimumf %sub3A_622, %sub3A_623 : vector<16xf32>
          %sub3A_625 = arith.subf %get3A_131, %sub3A_621 : vector<16xf32>
          %sub3A_626 = arith.subf %sub3A_621, %get3A_136 : vector<16xf32>
          %min3A_627 = arith.minimumf %sub3A_625, %sub3A_626 : vector<16xf32>
          %min3A_628 = arith.minimumf %min3A_624, %min3A_627 : vector<16xf32>
          %max3A_629 = arith.maximumf %max3A_605, %min3A_628 : vector<16xf32>
          %sub3A_630 = arith.subf %add3A_147, %add3A_530 : vector<16xf32>
          %sub3A_631 = arith.subf %add3A_151, %add3A_534 : vector<16xf32>
          %mul3A_632 = arith.mulf %sub3A_630, %get3A_502 : vector<16xf32>
          %mul3A_633 = arith.mulf %sub3A_631, %get3A_510 : vector<16xf32>
          %add3A_634 = arith.addf %mul3A_632, %mul3A_633 : vector<16xf32>
          %mul3A_635 = arith.mulf %sub3A_631, %get3A_502 : vector<16xf32>
          %mul3A_636 = arith.mulf %sub3A_630, %get3A_510 : vector<16xf32>
          %sub3A_637 = arith.subf %mul3A_635, %mul3A_636 : vector<16xf32>
          %sub3A_638 = arith.subf %get3A_447, %add3A_634 : vector<16xf32>
          %sub3A_639 = arith.subf %add3A_634, %get3A_452 : vector<16xf32>
          %min3A_640 = arith.minimumf %sub3A_638, %sub3A_639 : vector<16xf32>
          %sub3A_641 = arith.subf %get3A_457, %sub3A_637 : vector<16xf32>
          %sub3A_642 = arith.subf %sub3A_637, %get3A_462 : vector<16xf32>
          %min3A_643 = arith.minimumf %sub3A_641, %sub3A_642 : vector<16xf32>
          %min3A_644 = arith.minimumf %min3A_640, %min3A_643 : vector<16xf32>
          %max3A_645 = arith.maximumf %max3A_629, %min3A_644 : vector<16xf32>
          %sub3A_646 = arith.subf %add3A_155, %add3A_530 : vector<16xf32>
          %sub3A_647 = arith.subf %add3A_159, %add3A_534 : vector<16xf32>
          %mul3A_648 = arith.mulf %sub3A_646, %get3A_502 : vector<16xf32>
          %mul3A_649 = arith.mulf %sub3A_647, %get3A_510 : vector<16xf32>
          %add3A_650 = arith.addf %mul3A_648, %mul3A_649 : vector<16xf32>
          %mul3A_651 = arith.mulf %sub3A_647, %get3A_502 : vector<16xf32>
          %mul3A_652 = arith.mulf %sub3A_646, %get3A_510 : vector<16xf32>
          %sub3A_653 = arith.subf %mul3A_651, %mul3A_652 : vector<16xf32>
          %sub3A_654 = arith.subf %get3A_447, %add3A_650 : vector<16xf32>
          %sub3A_655 = arith.subf %add3A_650, %get3A_452 : vector<16xf32>
          %min3A_656 = arith.minimumf %sub3A_654, %sub3A_655 : vector<16xf32>
          %sub3A_657 = arith.subf %get3A_457, %sub3A_653 : vector<16xf32>
          %sub3A_658 = arith.subf %sub3A_653, %get3A_462 : vector<16xf32>
          %min3A_659 = arith.minimumf %sub3A_657, %sub3A_658 : vector<16xf32>
          %min3A_660 = arith.minimumf %min3A_656, %min3A_659 : vector<16xf32>
          %max3A_661 = arith.maximumf %max3A_645, %min3A_660 : vector<16xf32>
          %sub3A_662 = arith.subf %add3A_163, %add3A_530 : vector<16xf32>
          %sub3A_663 = arith.subf %add3A_167, %add3A_534 : vector<16xf32>
          %mul3A_664 = arith.mulf %sub3A_662, %get3A_502 : vector<16xf32>
          %mul3A_665 = arith.mulf %sub3A_663, %get3A_510 : vector<16xf32>
          %add3A_666 = arith.addf %mul3A_664, %mul3A_665 : vector<16xf32>
          %mul3A_667 = arith.mulf %sub3A_663, %get3A_502 : vector<16xf32>
          %mul3A_668 = arith.mulf %sub3A_662, %get3A_510 : vector<16xf32>
          %sub3A_669 = arith.subf %mul3A_667, %mul3A_668 : vector<16xf32>
          %sub3A_670 = arith.subf %get3A_447, %add3A_666 : vector<16xf32>
          %sub3A_671 = arith.subf %add3A_666, %get3A_452 : vector<16xf32>
          %min3A_672 = arith.minimumf %sub3A_670, %sub3A_671 : vector<16xf32>
          %sub3A_673 = arith.subf %get3A_457, %sub3A_669 : vector<16xf32>
          %sub3A_674 = arith.subf %sub3A_669, %get3A_462 : vector<16xf32>
          %min3A_675 = arith.minimumf %sub3A_673, %sub3A_674 : vector<16xf32>
          %min3A_676 = arith.minimumf %min3A_672, %min3A_675 : vector<16xf32>
          %max3A_677 = arith.maximumf %max3A_661, %min3A_676 : vector<16xf32>
          %sub3A_678 = arith.subf %add3A_171, %add3A_530 : vector<16xf32>
          %sub3A_679 = arith.subf %add3A_175, %add3A_534 : vector<16xf32>
          %mul3A_680 = arith.mulf %sub3A_678, %get3A_502 : vector<16xf32>
          %mul3A_681 = arith.mulf %sub3A_679, %get3A_510 : vector<16xf32>
          %add3A_682 = arith.addf %mul3A_680, %mul3A_681 : vector<16xf32>
          %mul3A_683 = arith.mulf %sub3A_679, %get3A_502 : vector<16xf32>
          %mul3A_684 = arith.mulf %sub3A_678, %get3A_510 : vector<16xf32>
          %sub3A_685 = arith.subf %mul3A_683, %mul3A_684 : vector<16xf32>
          %sub3A_686 = arith.subf %get3A_447, %add3A_682 : vector<16xf32>
          %sub3A_687 = arith.subf %add3A_682, %get3A_452 : vector<16xf32>
          %min3A_688 = arith.minimumf %sub3A_686, %sub3A_687 : vector<16xf32>
          %sub3A_689 = arith.subf %get3A_457, %sub3A_685 : vector<16xf32>
          %sub3A_690 = arith.subf %sub3A_685, %get3A_462 : vector<16xf32>
          %min3A_691 = arith.minimumf %sub3A_689, %sub3A_690 : vector<16xf32>
          %min3A_692 = arith.minimumf %min3A_688, %min3A_691 : vector<16xf32>
          %max3A_693 = arith.maximumf %max3A_677, %min3A_692 : vector<16xf32>
          %min3A_694 = arith.minimumf %max3A_693, %sub3A_143 : vector<16xf32>
          %sub3A_695 = arith.constant 5.000000e-01 : f32
          %sub3A_696 = vector.broadcast %sub3A_695 : f32 to vector<16xf32>
          %sub3A_697 = arith.subf %get3A_518, %sub3A_696 : vector<16xf32>
          %min3A_698 = arith.minimumf %min3A_694, %sub3A_697 : vector<16xf32>
          %max3A_699 = arith.maximumf %min3A_440, %min3A_698 : vector<16xf32>
          %max3A_700 = arith.maximumf %scan3A_183, %max3A_699 : vector<16xf32>
          scf.yield %max3A_700 : vector<16xf32>
        }
        %scan3A_181 = arith.constant 2 : i32
        scf.yield %scan3A_180 : vector<16xf32>
      }
      %scan3A_31 = arith.constant 16 : i32
      %xor3A = arith.constant 8 : i32
      %xor3A_32 = vector.broadcast %xor3A : i32 to vector<16xi32>
      %xor3A_33 = arith.xori %iota3A, %xor3A_32 : vector<16xi32>
      %lt3A = arith.constant 0 : i32
      %lt3A_34 = vector.broadcast %lt3A : i32 to vector<16xi32>
      %lt3A_35 = arith.cmpi slt, %xor3A_33, %lt3A_34 : vector<16xi32>
      %add3A_36 = arith.constant 16 : i32
      %add3A_37 = vector.broadcast %add3A_36 : i32 to vector<16xi32>
      %add3A_38 = arith.addi %xor3A_33, %add3A_37 : vector<16xi32>
      %select_n3A = arith.select %lt3A_35, %add3A_38, %xor3A_33 : vector<16xi1>, vector<16xi32>
      %broadcast_in_dim3A_39 = vector.shape_cast %select_n3A : vector<16xi32> to vector<16x1xi32>
      %gather3A = vector.shape_cast %broadcast_in_dim3A_39 : vector<16x1xi32> to vector<16xi32>
      %gather3A_40 = tpu.dynamic_gather %scan3A_30[%gather3A] in [0] : vector<16xf32>, vector<16xi32> -> vector<16xf32>
      %max3A = arith.maximumf %scan3A_30, %gather3A_40 : vector<16xf32>
      %xor3A_41 = arith.constant 4 : i32
      %xor3A_42 = vector.broadcast %xor3A_41 : i32 to vector<16xi32>
      %xor3A_43 = arith.xori %iota3A, %xor3A_42 : vector<16xi32>
      %lt3A_44 = arith.constant 0 : i32
      %lt3A_45 = vector.broadcast %lt3A_44 : i32 to vector<16xi32>
      %lt3A_46 = arith.cmpi slt, %xor3A_43, %lt3A_45 : vector<16xi32>
      %add3A_47 = arith.constant 16 : i32
      %add3A_48 = vector.broadcast %add3A_47 : i32 to vector<16xi32>
      %add3A_49 = arith.addi %xor3A_43, %add3A_48 : vector<16xi32>
      %select_n3A_50 = arith.select %lt3A_46, %add3A_49, %xor3A_43 : vector<16xi1>, vector<16xi32>
      %broadcast_in_dim3A_51 = vector.shape_cast %select_n3A_50 : vector<16xi32> to vector<16x1xi32>
      %gather3A_52 = vector.shape_cast %broadcast_in_dim3A_51 : vector<16x1xi32> to vector<16xi32>
      %gather3A_53 = tpu.dynamic_gather %max3A[%gather3A_52] in [0] : vector<16xf32>, vector<16xi32> -> vector<16xf32>
      %max3A_54 = arith.maximumf %max3A, %gather3A_53 : vector<16xf32>
      %xor3A_55 = arith.constant 2 : i32
      %xor3A_56 = vector.broadcast %xor3A_55 : i32 to vector<16xi32>
      %xor3A_57 = arith.xori %iota3A, %xor3A_56 : vector<16xi32>
      %lt3A_58 = arith.constant 0 : i32
      %lt3A_59 = vector.broadcast %lt3A_58 : i32 to vector<16xi32>
      %lt3A_60 = arith.cmpi slt, %xor3A_57, %lt3A_59 : vector<16xi32>
      %add3A_61 = arith.constant 16 : i32
      %add3A_62 = vector.broadcast %add3A_61 : i32 to vector<16xi32>
      %add3A_63 = arith.addi %xor3A_57, %add3A_62 : vector<16xi32>
      %select_n3A_64 = arith.select %lt3A_60, %add3A_63, %xor3A_57 : vector<16xi1>, vector<16xi32>
      %broadcast_in_dim3A_65 = vector.shape_cast %select_n3A_64 : vector<16xi32> to vector<16x1xi32>
      %gather3A_66 = vector.shape_cast %broadcast_in_dim3A_65 : vector<16x1xi32> to vector<16xi32>
      %gather3A_67 = tpu.dynamic_gather %max3A_54[%gather3A_66] in [0] : vector<16xf32>, vector<16xi32> -> vector<16xf32>
      %max3A_68 = arith.maximumf %max3A_54, %gather3A_67 : vector<16xf32>
      %xor3A_69 = arith.constant 1 : i32
      %xor3A_70 = vector.broadcast %xor3A_69 : i32 to vector<16xi32>
      %xor3A_71 = arith.xori %iota3A, %xor3A_70 : vector<16xi32>
      %lt3A_72 = arith.constant 0 : i32
      %lt3A_73 = vector.broadcast %lt3A_72 : i32 to vector<16xi32>
      %lt3A_74 = arith.cmpi slt, %xor3A_71, %lt3A_73 : vector<16xi32>
      %add3A_75 = arith.constant 16 : i32
      %add3A_76 = vector.broadcast %add3A_75 : i32 to vector<16xi32>
      %add3A_77 = arith.addi %xor3A_71, %add3A_76 : vector<16xi32>
      %select_n3A_78 = arith.select %lt3A_74, %add3A_77, %xor3A_71 : vector<16xi1>, vector<16xi32>
      %broadcast_in_dim3A_79 = vector.shape_cast %select_n3A_78 : vector<16xi32> to vector<16x1xi32>
      %gather3A_80 = vector.shape_cast %broadcast_in_dim3A_79 : vector<16x1xi32> to vector<16xi32>
      %gather3A_81 = tpu.dynamic_gather %max3A_68[%gather3A_80] in [0] : vector<16xf32>, vector<16xi32> -> vector<16xf32>
      %max3A_82 = arith.maximumf %max3A_68, %gather3A_81 : vector<16xf32>
      %gt3A = arith.constant 0.000000e+00 : f32
      %gt3A_83 = vector.broadcast %gt3A : f32 to vector<16xf32>
      %gt3A_84 = arith.cmpf ogt, %max3A_82, %gt3A_83 : vector<16xf32>
      %jit3A = arith.constant 0.000000e+00 : f32
      %jit3A_85 = arith.constant 1.000000e+00 : f32
      %broadcast_in_dim3A_86 = vector.broadcast %jit3A : f32 to vector<16xf32>
      %broadcast_in_dim3A_87 = vector.broadcast %jit3A_85 : f32 to vector<16xf32>
      %select_n3A_88 = arith.select %gt3A_84, %broadcast_in_dim3A_86, %broadcast_in_dim3A_87 : vector<16xi1>, vector<16xf32>
      %eq3A = vector.broadcast %scan3A_20 : i32 to vector<16xi32>
      %eq3A_89 = arith.cmpi eq, %iota3A, %eq3A : vector<16xi32>
      %select_n3A_90 = arith.select %eq3A_89, %select_n3A_88, %scan3A_21 : vector<16xi1>, vector<16xf32>
      scf.yield %select_n3A_90 : vector<16xf32>
    }
    %scan3A_14 = arith.constant 4 : i32
    %swap3A = arith.constant 0 : index
    %swap3A_15 = tpu.vector_load %arg9[%swap3A] {strides = array<i32>} : memref<16xf32, #tpu.memory_space<vmem>>, vector<16xf32>,
    %swap3A_16 = vector.shape_cast %swap3A_15 : vector<16xf32> to vector<16xf32>
    %swap3A_17 = vector.shape_cast %scan3A_13 : vector<16xf32> to vector<16xf32>
    tpu.vector_store %arg9[%swap3A], %swap3A_17 {strides = array<i32>} : memref<16xf32, #tpu.memory_space<vmem>>, vector<16xf32>,
    %mul3A_18 = arith.constant 16 : i32
    %mul3A_19 = arith.muli %add3A, %mul3A_18 : i32
    "tpu.region"() ({
      %run_scoped3A = tpu.sem_alloc : memref<!tpu.dma_semaphore, #tpu.memory_space<semaphore_mem>>
      %dma_start3A = tpu.memref_slice %arg5[%mul3A_19] : memref<512xf32, #tpu.memory_space<hbm>> -> memref<16xf32, #tpu.memory_space<hbm>>
      %dma_start3A_20 = tpu.memref_slice %arg5[%mul3A_19] : memref<512xf32, #tpu.memory_space<hbm>> -> memref<16xf32, #tpu.memory_space<hbm>>
      tpu.enqueue_dma source(%arg9 : memref<16xf32, #tpu.memory_space<vmem>>) target(%dma_start3A_20 : memref<16xf32, #tpu.memory_space<hbm>>) target_semaphore(%run_scoped3A : memref<!tpu.dma_semaphore, #tpu.memory_space<semaphore_mem>>)
      %dma_wait3A = tpu.memref_slice %arg5[%mul3A_19] : memref<512xf32, #tpu.memory_space<hbm>> -> memref<16xf32, #tpu.memory_space<hbm>>
      %dma_wait3A_21 = tpu.memref_slice %arg5[%mul3A_19] : memref<512xf32, #tpu.memory_space<hbm>> -> memref<16xf32, #tpu.memory_space<hbm>>
      tpu.wait_dma2 semaphore(%run_scoped3A : memref<!tpu.dma_semaphore, #tpu.memory_space<semaphore_mem>>) src(%arg9 : memref<16xf32, #tpu.memory_space<vmem>>) dst(%dma_wait3A_21 : memref<16xf32, #tpu.memory_space<hbm>>)
      tpu.yield
    }) : () -> ()
    return
  }
}

</mosaic_0001>

<sc_bundles>
// kernel: kernel.3.cloned.1.call-start
scs
__scs_entry_jumppad:
0x0: {  	(pc) =	sbr.rel $0x88, $3  }
0x1: {  	(tag) =	ssettag $0x0;
	lr =	simm.s32 $0x1  }
0x2: {  	[smem:$0x3F9D] =	sst lr;
	_ =	strace $0xD0000000  }
0x3: {  	_ = 	snop  }
0x4: {  	_ = 	snop  }
0x5: {  	_ = 	snop  }
0x6: {  	_ = 	snop  }
0x7: {  	_ = 	snop  }
__scs_overlays_trampoline_lowered:
0x8: {  	[smem:$0x3FAC] =	sst s0  }
0x9: {  	[smem:$0x3FAD] =	sst s1  }
0xa: {  	[smem:$0x3FAE] =	sst s2  }
0xb: {  	[smem:$0x3FAF] =	sst s3  }
0xc: {  	[smem:$0x3FB0] =	sst s4  }
0xd: {  	[smem:$0x3FB1] =	sst s5  }
0xe: {  	[smem:$0x3FB2] =	sst s6  }
0xf: {  	[smem:$0x3FB3] =	sst s7  }
0x10: {  	[smem:$0x3FB4] =	sst s8  }
0x11: {  	[smem:$0x3FB5] =	sst s9;
	s0 =	simm.s32 @!p0 $0x0  }
0x12: {  	s1 =	sld [smem:$0x3F9B];
	s0 =	simm.s32 @p0 $0x1  }
0x13: {  	[smem:$0x3FB6] =	sst s0;
	s0 =	simm.s32 @!p1 $0x0  }
0x14: {  	s2 =	sld [smem:$0x3F9A];
	s0 =	simm.s32 @p1 $0x1  }
0x15: {  	[smem:$0x3FB7] =	sst s0;
	s0 =	simm.s32 @!p2 $0x0  }
0x16: {  	s3 =	sld [smem:$0x3FDB];
	s0 =	simm.s32 @p2 $0x1  }
0x17: {  	s4 =	simm.s32 $0x1BF5;
	[smem:$0x3FB9] =	sst s0  }
0x18: {  	s0 =	sld [smem:$0x3F9C];
	_ =	swait.ge [sflag:s4], $0x0  }
0x19: {  	s7 =	sld [smem:$0x3F9D]  }
0x1a: {  	s8 =	sadd.s32 $0xFFFFE003, lr  }
0x1b: {  	s9 =	sadd.s32 $0xFFFFFEF7, lr;
	s5 =	simm.s32 $0xFFFFFFFF;
	p2 =	slt.u32 s8, $0xFFFFF086  }
0x1c: {  	p1 =	slt.u32 s9, $0xF7A;
	s5 =	simm.s32 @!p2 $0x0  }
0x1d: {  	s5 =	simm.s32 @p1 $0x1;
	p0 =	seq.s32 s7, s2  }
0x1e: {  	s7 =	smul.u32 @!p0 $0xF7A, s2;
	p2 =	seq.s32 @!p0 s5, $0x0  }
0x1f: {  	s9 =	smul.u32 $0xF7A, s1;
	s8 =	simm.s32 @!p0 $0x1BF5;
	p2 =	por !p2, p0  }
0x20: {  	[sflag:s8] =	ssyncset.s32 @!p0 $0xFFFFF086;
	s6 =	sadd.s32 @!p0 s3, s7;
	s7 =	simm.s32 @!p0 $0x108  }
0x21: {  	s3 =	sadd.s32 s3, s9;
	s6 =	sadd.s32 @!p0 $0x88, s6;
	s7 =	simm.s32 @p2 $0x1082  }
0x22: {  	[simem:s7], [sflag:s8] =	dma.local @!p0 [hbm:s6], $0xF7A  }
0x23: {  	s9 =	sor.u32 $0xD0000000, s2;
	s6 =	simm.s32 $0x108;
	_ =	swait.ge @!p0 [sflag:s8], $0x0  }
0x24: {  	s3 =	sadd.s32 $0x88, s3;
	s6 =	simm.s32 @!p1 $0x1082;
	[sflag:s4] =	ssyncset.s32 $0xFFFFF086  }
0x25: {  	[simem:s6], [sflag:s4] =	dma.local [hbm:s3], $0xF7A  }
0x26: {  	[smem:$0x3F9D] =	sst s1;
	(tag) =	ssettag s2;
	_ =	strace s9  }
0x27: {  	s1 =	sld [smem:$0x3FAD]  }
0x28: {  	s2 =	sld [smem:$0x3FAE]  }
0x29: {  	s4 =	sld [smem:$0x3FB0]  }
0x2a: {  	p0 =	seq.s32 s5, $0x0;
	s5 =	sld [smem:$0x3FB1]  }
0x2b: {  	s6 =	sld [smem:$0x3FB2]  }
0x2c: {  	s7 =	sld [smem:$0x3FB3]  }
0x2d: {  	s3 =	simm.s32 $0x108;
	s8 =	sld [smem:$0x3FB4]  }
0x2e: {  	s3 =	simm.s32 @!p0 $0x1082;
	s9 =	sld [smem:$0x3FB5]  }
0x2f: {  	lr =	sadd.s32 s0, s3;
	s0 =	sld [smem:$0x3FAC]  }
0x30: {  	s3 =	sld [smem:$0x3FAF]  }
0x31: {  	[smem:$0x3FB8] =	sst s10  }
0x32: {  	s10 =	sld [smem:$0x3FB6];
	_ =	sdelay $0x3  }
0x33: {  	p0 =	seq.s32 s10, $0x1;
	s10 =	sld [smem:$0x3FB8];
	_ =	sdelay $0x3  }
0x34: {  	[smem:$0x3FB8] =	sst s10  }
0x35: {  	s10 =	sld [smem:$0x3FB7];
	_ =	sdelay $0x3  }
0x36: {  	p1 =	seq.s32 s10, $0x1;
	s10 =	sld [smem:$0x3FB8];
	_ =	sdelay $0x3  }
0x37: {  	[smem:$0x3FB8] =	sst s10  }
0x38: {  	s10 =	sld [smem:$0x3FB9]  }
0x39: {  	_ = 	snop;
	(pc) =	sbr.ind lr, $3  }
0x3a: {  	_ = 	snop  }
0x3b: {  	_ = 	snop  }
0x3c: {  	p2 =	seq.s32 s10, $0x1;
	s10 =	sld [smem:$0x3FB8]  }
0x3d: {  	_ =	shalt  }
0x3e: {  	_ =	shalt  }
0x3f: {  	_ =	shalt  }
0x40: {  	_ =	shalt  }
0x41: {  	_ =	shalt  }
0x42: {  	_ =	shalt  }
0x43: {  	_ =	shalt  }
0x44: {  	_ =	shalt  }
0x45: {  	_ =	shalt  }
0x46: {  	_ =	shalt  }
0x47: {  	_ =	shalt  }
0x48: {  	_ =	shalt  }
0x49: {  	_ =	shalt  }
0x4a: {  	_ =	shalt  }
0x4b: {  	_ =	shalt  }
0x4c: {  	_ =	shalt  }
0x4d: {  	_ =	shalt  }
0x4e: {  	_ =	shalt  }
0x4f: {  	_ =	shalt  }
0x50: {  	_ =	shalt  }
0x51: {  	_ =	shalt  }
0x52: {  	_ =	shalt  }
0x53: {  	_ =	shalt  }
0x54: {  	_ =	shalt  }
0x55: {  	_ =	shalt  }
0x56: {  	_ =	shalt  }
0x57: {  	_ =	shalt  }
0x58: {  	_ =	shalt  }
0x59: {  	_ =	shalt  }
0x5a: {  	_ =	shalt  }
0x5b: {  	_ =	shalt  }
0x5c: {  	_ =	shalt  }
0x5d: {  	_ =	shalt  }
0x5e: {  	_ =	shalt  }
0x5f: {  	_ =	shalt  }
0x60: {  	_ =	shalt  }
0x61: {  	_ =	shalt  }
0x62: {  	_ =	shalt  }
0x63: {  	_ =	shalt  }
0x64: {  	_ =	shalt  }
0x65: {  	_ =	shalt  }
0x66: {  	_ =	shalt  }
0x67: {  	_ =	shalt  }
0x68: {  	_ =	shalt  }
0x69: {  	_ =	shalt  }
0x6a: {  	_ =	shalt  }
0x6b: {  	_ =	shalt  }
0x6c: {  	_ =	shalt  }
0x6d: {  	_ =	shalt  }
0x6e: {  	_ =	shalt  }
0x6f: {  	_ =	shalt  }
0x70: {  	_ =	shalt  }
0x71: {  	_ =	shalt  }
0x72: {  	_ =	shalt  }
0x73: {  	_ =	shalt  }
0x74: {  	_ =	shalt  }
0x75: {  	_ =	shalt  }
0x76: {  	_ =	shalt  }
0x77: {  	_ =	shalt  }
0x78: {  	_ =	shalt  }
0x79: {  	_ =	shalt  }
0x7a: {  	_ =	shalt  }
0x7b: {  	_ =	shalt  }
0x7c: {  	_ =	shalt  }
0x7d: {  	_ =	shalt  }
0x7e: {  	_ =	shalt  }
0x7f: {  	_ =	shalt  }
0x80: {  	_ =	shalt  }
0x81: {  	_ =	shalt  }
0x82: {  	_ =	shalt  }
0x83: {  	_ =	shalt  }
0x84: {  	_ =	shalt  }
0x85: {  	_ =	shalt  }
0x86: {  	_ =	shalt  }
0x87: {  	_ =	shalt  }
.Lfunc_end0:
.L_simem_size_0:
called_computation_lowered:
.L_overlay_start_0:
0x88: {  	s2 =	sld [smem:$0x3FD9]  }
0x89: {  	s3 =	sld [smem:$0x3FFE];
	_ =	sdelay $0x1  }
0x8a: {  	s1 =	srdreg.scid  }
0x8b: {  	s0 =	sand.u32 $0x1, s1  }
0x8c: {  	s16 =	sshll.u32 s0, $0xA;
	s2 =	sadd.s32 s3, s2  }
0x8d: {  	s2 =	sadd.s32 s2, s16  }
0x8e: {  	[smem:$0x3FC4] =	sst s2  }
0x8f: {  	_ = 	snop  }
0x90: {  	(tm) =	ssettm $0x1  }
0x91: {  	s17 =	sld [smem:$0x3FFB];
	_ =	sdelay $0x3  }
0x92: {  	_ =	strace s17  }
0x93: {  	s2 =	sld [smem:$0x3FFC];
	_ =	sdelay $0x3  }
0x94: {  	_ =	strace s2  }
0x95: {  	s2 =	sld [smem:$0x3FFD];
	_ =	sdelay $0x3  }
0x96: {  	_ =	strace s2  }
0x97: {  	_ =	strace $0x8FFFFFFF  }
0x98: {  	s18 =	sld [smem:$0x3FDB];
	_ =	sdelay $0x1  }
0x99: {  	s19 =	simm.s32 $_scs_section_size  }
0x9a: {  	s4 =	simm.s32 $_size__tile_overlayer_lowered;
	s5 =	simm.s32 $_tile_overlayer_lowered  }
0x9b: {  	s22 =	simm.s32 $0x1BFF;
	s21 =	sshll.u32 s5, $0x1;
	s2 =	sadd.s32 s19, s18  }
0x9c: {  	s6 =	simm.s32 $0x0;
	s20 =	sshll.u32 s4, $0x1;
	s4 =	sadd.s32 s21, s2  }
0x9d: {  	[timem:s6], [sflag:s22] =	dma.local [hbm:s4], s20  }
0x9e: {  	_ =	swait.ge [sflag:s22], s20  }
0x9f: {  	s3 =	ssub.s32 $0x0, s20;
	[sflag:s22] =	ssyncset.done $0x0  }
0xa0: {  	[sflag:s22] =	ssyncadd.s32 s3;
	_ =	sdelay $0x1  }
0xa1: {  	s23 =	simm.s32 $0x1B8B  }
0xa2: {  	_ =	swait.ge [sflag:s23], $0x1  }
0xa3: {  	[sflag:s23] =	ssyncset.done $0x0  }
0xa4: {  	s25 =	simm.s32 $0x1B8E;
	s24 =	sld [smem:$0x3FFE];
	[sflag:s23] =	ssyncadd.s32 $0xFFFFFFFF  }
0xa5: {  	s26 =	simm.s32 $execute0_lowered;
	[smem:$0x3FD2] =	sst s25  }
0xa6: {  	s4 =	sshll.u32 s26, $0x1;
	_ =	strace $0x80000046;
	[dreg:$0x1] =	wrdreg $0xFFFFFFFF  }
0xa7: {  	s28 =	simm.s32 $_size_execute0_lowered;
	s2 =	sadd.s32 s2, s4;
	[dreg:$0x0] =	wrdreg $0x0  }
0xa8: {  	s4 =	sshll.u32 s28, $0x1;
	[dreg:$0x2] =	wrdreg s2  }
0xa9: {  	[dreg:$0x3] =	wrdreg s4  }
0xaa: {  	[dreg:$0x4] =	wrdreg $0xC0  }
0xab: {  	_ =	task [dreg:s6], $0x5FFFF  }
0xac: {  	[dreg:$0x1] =	wrdreg $0xFFFFFFFF  }
0xad: {  	[dreg:$0x0] =	wrdreg $0x60  }
0xae: {  	[dreg:$0x2] =	wrdreg s24  }
0xaf: {  	[dreg:$0x3] =	wrdreg $0x9  }
0xb0: {  	_ =	task.clear_ibuf [dreg:s6], $0x4FFFF;
	_ =	strace $0x90000046  }
0xb1: {  	s29 =	simm.s32 $0x9;
	_ =	strace $0x80000048  }
0xb2: {  	_ =	swait.ge [sflag:s29], $0x1  }
0xb3: {  	[sflag:s29] =	ssyncadd.s32 $0xFFFFFFFF  }
0xb4: {  	_ =	strace $0x90000048  }
0xb5: {  	_ =	sfence  }
0xb6: {  	s30 =	sld [smem:$0x0];
	_ =	sdelay $0x2  }
0xb7: {  	s31 =	sshll.u32 s1, $0xD;
	s1 =	sshrl.u32 s1, $0x2  }
0xb8: {  	s3 =	sand.u32 $0x4000, s31;
	s1 =	sadd.s32 s1, s30  }
0xb9: {  	s0 =	sor.u32 s3, s0;
	s1 =	sshll.u32 s1, $0x11  }
0xba: {  	s0 =	sor.u32 s1, s0  }
0xbb: {  	s0 =	sadd.s32 $0x8F2B, s0  }
0xbc: {  	[sflag:s0] =	ssyncadd.remote.s32 $0x1  }
0xbd: {  	_ =	sfence.sel $0xFFFF  }
0xbe: {  	[dreg:$0x0] =	wrdreg $0xFFFFFFFF;
	(pc) =	sbr.abs _section_cstart, $3  }
0xbf: {  	[dreg:$0x1] =	wrdreg $0xFFFFFFFF  }
0xc0: {  	_ =	task.clear_ibuf [dreg:s6], $0x2FFFF;
	_ =	strace $0x9FFFFFFF  }
0xc1: {  	(tm) =	ssettm $0x7FFFFFFF  }
tec
execute0_lowered:
.L_overlay_start_1:
0x0: {  	(tag) =	ssettag $0x1  }
0x1: {  	s3 =	rddreg [dreg:$0x0];
	v0 =	vimm.s32 $0xFEDCBA98;
	s1 =	simm.s32 $0x0  }
0x2: {  	v1 =	vimm.s32 $0x76543210;
	v3 =	vimm.s32 $0x32107654;
	[smem:$0x7FF] =	sst s1  }
0x3: {  	s0 =	rddreg [dreg:$0x1];
	v2 =	vimm.f32 $5.000000000e-01;
	v4 =	vimm.s32 $0xDCFE98BA;
	v5 =	vimm.s32 $0x54761032;
	_ =	strace $0x80000047  }
0x4: {  	s4 =	srdreg.scid;
	s2 =	stileid.u32;
	v6 =	vimm.s32 $0xEFCDAB89;
	v0 =	vunpack.c.l.s4.s8 v0;
	(erf) = vrcp.f32 v2  }
0x5: {  	v7 =	vimm.s32 $0x67452301;
	v1 =	vunpack.c.l.s4.s8 v1;
	s4 =	sand.u32 $0x1, s4;
	s5 =	sshll.u32 s2, $0x1;
	v3 =	vunpack.c.l.s4.s8 v3  }
0x6: {  	v4 =	vunpack.c.l.s4.s8 v4;
	s5 =	sor.u32 s4, s5;
	v0 =	vunpack.c.0.s8.s32 v0;
	v2 =	vimm.s32 $0xBA98FEDC  }
0x7: {  	s11 =	simm.s32 $0x7A00;
	s12 =	simm.s32 $0x0;
	v5 =	vunpack.c.l.s4.s8 v5;
	v1 =	vunpack.c.0.s8.s32 v1;
	s6 =	smul.u32 $0xA40, s5;
	v2 =	vunpack.c.l.s4.s8 v2  }
0x8: {  	v6 =	vunpack.c.l.s4.s8 v6;
	v7 =	vunpack.c.l.s4.s8 v7;
	s4 =	ssub.s32 $0x2, s4;
	s7 =	sshll.u32 s5, $0x7;
	s8 =	smul.u32 $0x480, s5;
	v0 =	vand.u32 $0xF, v0  }
0x9: {  	s5 =	sshll.u32 s5, $0x1;
	s9 =	sshrl.u32 s4, $0x1;
	v3 =	vunpack.c.0.s8.s32 v3;
	s7 =	sadd.s32 s7, s3;
	v2 =	vunpack.c.0.s8.s32 v2;
	v0 =	vcombine.low v0, v1  }
0xa: {  	v4 =	vunpack.c.0.s8.s32 v4;
	v5 =	vunpack.c.0.s8.s32 v5;
	s10 =	sadd.s32 s5, s3;
	s9 =	ssub.s32 s4, s9;
	s6 =	sadd.s32 s6, s3  }
0xb: {  	v6 =	vunpack.c.0.s8.s32 v6;
	v7 =	vunpack.c.0.s8.s32 v7;
	s8 =	sadd.s32 s8, s3;
	s4 =	sadd.s32 $0x9200, s7;
	s7 =	smax.u32 s9, $0x1;
	[tilespmem:$0x1FFE0] =	vst v0;
	v0 =	vcombine.low v3, v2  }
0xc: {  	s9 =	simm.s32 $0x5200;
	s3 =	sadd.s32 $0xA200, s6;
	s5 =	sadd.s32 $0x200, s8  }
0xd: {  	s6 =	sadd.s32 $0x1EA00, s10;
	s8 =	simm.s32 $0x1;
	s10 =	simm.s32 $0x5600;
	v2 =	vcombine.low v5, v4;
	v4 =	vcombine.low v7, v6;
	[tilespmem:$0x1FFF0] =	vst v0;
	v3 =	vpop (erf)  }
.LBB2_1:
0xe: {  	[tilespmem:s1], [sflag:$0x1] =	stream.linear.gather [hbm4b:s3+s1], $0x5200, $0x38;
	[tilespmem:$0x7A80] =	vst v63  }
0xf: {  	_ =	swait.ge [sflag:s8], $0x5200  }
0x10: {  	[sflag:s8] =	ssyncset.done $0x0  }
0x11: {  	[sflag:s8] =	ssyncadd.s32 $0xFFFFAE00  }
0x12: {  	[tilespmem:s9], [sflag:$0x1] =	stream.linear.gather [hbm4b:s4+s1], $0x400, $0x38;
	[tilespmem:$0x7A80] =	vst v63  }
0x13: {  	_ =	swait.ge [sflag:s8], $0x400  }
0x14: {  	[sflag:s8] =	ssyncset.done $0x0  }
0x15: {  	[sflag:s8] =	ssyncadd.s32 $0xFFFFFC00  }
0x16: {  	[tilespmem:s10], [sflag:$0x1] =	stream.linear.gather [hbm4b:s5+s1], $0x2400, $0x38;
	[tilespmem:$0x7A80] =	vst v63  }
0x17: {  	_ =	swait.ge [sflag:s8], $0x2400  }
0x18: {  	[sflag:s8] =	ssyncset.done $0x0  }
0x19: {  	v7 =	vimm.f32 $0.0e+00;
	s13 =	simm.s32 $0x0;
	[sflag:s8] =	ssyncadd.s32 $0xFFFFDC00  }
.LBB2_2:
0x1a: {  	s14 =	sshll.u32 s13, $0x6  }
0x1b: {  	s15 =	sand.u32 $0x80, s14  }
0x1c: {  	v8 =	vimm.f32 $-1.000000000e+00;
	s18 =	sor.u32 $0x5300, s15;
	s19 =	sor.u32 $0x5400, s15;
	s20 =	sor.u32 $0x5500, s15  }
0x1d: {  	s16 =	sshll.u32 s13, $0x4;
	s17 =	simm.s32 $0x0;
	v9 =	vmov s18;
	v10 =	vmov s19;
	v11 =	vmov s20  }
.LBB2_3:
0x1e: {  	s18 =	sadd.s32 s16, s17  }
0x1f: {  	s18 =	smul.u32 $0x90, s18;
	_ =	sdelay $0x1  }
0x20: {  	v12 =	vld [tilespmem:s18+$0x5620]  }
0x21: {  	v13 =	vld [tilespmem:s18+$0x5630]  }
0x22: {  	v14 =	vld [tilespmem:s18+$0x5640]  }
0x23: {  	v15 =	vld [tilespmem:s18+$0x5660]  }
0x24: {  	v16 =	vld [tilespmem:s18+$0x5670]  }
0x25: {  	s19 =	sand.u32 $0x3FF0, s18;
	v19 =	vld [tilespmem:s18+$0x5650]  }
0x26: {  	v20 =	vld [tilespmem:s19+$0x5680];
	_ =	sdelay $0x1  }
0x27: {  	v22 =	vmul.f32 v14, v12;
	v25 =	vmul.f32 v15, v13  }
0x28: {  	v18 =	vld [tilespmem:s18+$0x5610];
	v23 =	vmul.f32 v14, v13;
	v26 =	vmul.f32 v15, v12  }
0x29: {  	v17 =	vld [tilespmem:s18+$0x5600];
	v27 =	vmul.f32 v16, v13;
	v28 =	vmul.f32 v16, v12  }
0x2a: {  	s29 =	sshll.u32 s17, $0x8;
	v31 =	vmul.f32 v19, v12;
	v20 =	vadd.f32 $-5.000000000e-01, v20;
	v21 =	vsub.f32 v22, v25  }
0x2b: {  	s30 =	sor.u32 s15, s29;
	v32 =	vmul.f32 v19, v13;
	v24 =	vadd.f32 v26, v23;
	v29 =	vsub.f32 v22, v27  }
0x2c: {  	s31 =	sadd.s32 $0x2200, s30;
	v30 =	vadd.f32 v28, v23;
	v27 =	vsub.f32 v31, v27  }
0x2d: {  	s23 =	sadd.s32 $0x3200, s30;
	v33 =	vmov s31;
	v28 =	vadd.f32 v28, v32;
	v22 =	vadd.f32 v24, v18  }
0x2e: {  	v34 =	vmov s23;
	s19 =	sadd.s32 $0x4200, s30;
	v23 =	vadd.f32 v29, v17;
	v29 =	vsub.f32 v31, v25  }
0x2f: {  	s20 =	sadd.s32 $0x100, s30;
	v35 =	vmov s19;
	v24 =	vadd.f32 v30, v18;
	v30 =	vadd.f32 v26, v32  }
0x30: {  	s18 =	sor.u32 s29, s15;
	v25 =	vadd.f32 v27, v17;
	v27 =	vadd.f32 v29, v17;
	v29 =	vmov s20  }
0x31: {  	s21 =	sadd.s32 $0x1200, s30;
	s22 =	sadd.s32 $0x1100, s30;
	v26 =	vadd.f32 v28, v18;
	v28 =	vadd.f32 v30, v18;
	v30 =	vmov s18  }
0x32: {  	p0 =	por $0x1, $0x1;
	v21 =	vadd.f32 v21, v17;
	v31 =	vmov s21;
	v32 =	vmov s22;
	s18 =	simm.s32 $0x0  }
.LBB2_4:
0x33: {  	s20 =	sor.u32 s14, s18  }
0x34: {  	s18 =	sand.u32 $0x60, s20;
	v42 =	vld [tilespmem:s20+$0x5200]  }
0x35: {  	v36 =	vld.idx.msk [tilespmem:v29+s18+$0x0 ss:$0x1], $0xffff  }
0x36: {  	v37 =	vld.idx.msk [tilespmem:v30+s18+$0x0 ss:$0x1], $0xffff  }
0x37: {  	v39 =	vld.idx.msk [tilespmem:v31+s18+$0x0 ss:$0x1], $0xffff  }
0x38: {  	v40 =	vld.idx.msk [tilespmem:v32+s18+$0x0 ss:$0x1], $0xffff  }
0x39: {  	v38 =	vld.idx.msk [tilespmem:v10+s18+$0x0 ss:$0x1], $0xffff  }
0x3a: {  	v44 =	vld.idx.msk [tilespmem:v33+s18+$0x0 ss:$0x1], $0xffff  }
0x3b: {  	v43 =	vld.idx.msk [tilespmem:v34+s18+$0x0 ss:$0x1], $0xffff;
	_ =	sdelay $0x3  }
0x3c: {  	v37 =	vsub.f32 v36, v37;
	v40 =	vsub.f32 v39, v40  }
0x3d: {  	v41 =	vmul.f32 v44, v42;
	v48 =	vmul.f32 v43, v38  }
0x3e: {  	v46 =	vld.idx.msk [tilespmem:v9+s18+$0x0 ss:$0x1], $0xffff;
	v37 =	vmul.f32 v37, v3;
	v40 =	vmul.f32 v40, v3  }
0x3f: {  	v49 =	vmul.f32 v43, v42;
	v50 =	vmul.f32 v44, v38  }
0x40: {  	v37 =	vmul.f32 $9.499999880e-01, v37;
	v40 =	vmul.f32 $9.499999880e-01, v40  }
0x41: {  	v59 =	vsub.f32 v41, v48;
	v60 =	vadd.f32 v49, v50  }
0x42: {  	v47 =	vadd.f32 v37, v36;
	v45 =	vadd.f32 v40, v39;
	v39 =	vld.idx.msk [tilespmem:v11+s18+$0x0 ss:$0x1], $0xffff  }
0x43: {  	v54 =	vmul.f32 v44, v46  }
0x44: {  	v36 =	vadd.f32 v59, v47;
	v37 =	vadd.f32 v45, v60  }
0x45: {  	v55 =	vmul.f32 v43, v46;
	v48 =	vsub.f32 v54, v48  }
0x46: {  	v36 =	vsub.f32 v36, v17;
	v37 =	vsub.f32 v37, v18  }
0x47: {  	v50 =	vadd.f32 v55, v50;
	v52 =	vmul.f32 v43, v39;
	v53 =	vmul.f32 v44, v39  }
0x48: {  	v6 =	vsub.f32 v27, v47;
	v61 =	vmul.f32 v36, v12;
	v51 =	vmul.f32 v37, v13  }
0x49: {  	v37 =	vmul.f32 v37, v12;
	v41 =	vsub.f32 v41, v52;
	v49 =	vadd.f32 v49, v53  }
0x4a: {  	v36 =	vmul.f32 v36, v13;
	v52 =	vsub.f32 v54, v52;
	v53 =	vadd.f32 v55, v53  }
0x4b: {  	v54 =	vadd.f32 v48, v47;
	v55 =	vadd.f32 v45, v50  }
0x4c: {  	v40 =	vadd.f32 v51, v61;
	v36 =	vsub.f32 v37, v36  }
0x4d: {  	v41 =	vadd.f32 v41, v47;
	v49 =	vadd.f32 v45, v49  }
0x4e: {  	v52 =	vadd.f32 v52, v47;
	v53 =	vadd.f32 v45, v53  }
0x4f: {  	v48 =	vsub.f32 v55, v18;
	v62 =	vsub.f32 v14, v40  }
0x50: {  	v41 =	vsub.f32 v41, v17;
	v49 =	vsub.f32 v49, v18  }
0x51: {  	v40 =	vsub.f32 v40, v19;
	v63 =	vsub.f32 v15, v36  }
0x52: {  	v36 =	vsub.f32 v36, v16;
	v56 =	vmul.f32 v41, v12;
	v57 =	vmul.f32 v49, v13  }
0x53: {  	v51 =	vsub.f32 v53, v18;
	v49 =	vmul.f32 v49, v12;
	v41 =	vmul.f32 v41, v13  }
0x54: {  	v37 =	vmin.f32 v62, v40;
	v36 =	vmin.f32 v63, v36;
	v56 =	vadd.f32 v57, v56  }
0x55: {  	v36 =	vmin.f32 v37, v36;
	v37 =	vsub.f32 v54, v17;
	v40 =	vsub.f32 v49, v41  }
0x56: {  	v63 =	vmul.f32 v51, v13;
	v41 =	vsub.f32 v52, v17;
	v49 =	vsub.f32 v14, v56  }
0x57: {  	v51 =	vmul.f32 v51, v12;
	v60 =	vsub.f32 v56, v19;
	v61 =	vsub.f32 v15, v40  }
0x58: {  	v62 =	vmul.f32 v41, v12;
	v40 =	vsub.f32 v40, v16;
	v41 =	vmul.f32 v41, v13  }
0x59: {  	v59 =	vmul.f32 v37, v12;
	v37 =	vmul.f32 v37, v13;
	v49 =	vmin.f32 v49, v60  }
0x5a: {  	v57 =	vadd.f32 v63, v62;
	v41 =	vsub.f32 v51, v41;
	v40 =	vmin.f32 v61, v40  }
0x5b: {  	v60 =	vmul.f32 v48, v13;
	v62 =	vsub.f32 v21, v47;
	v63 =	vsub.f32 v22, v45  }
0x5c: {  	v48 =	vmul.f32 v48, v12;
	v58 =	vsub.f32 v14, v57;
	v50 =	vsub.f32 v57, v19  }
0x5d: {  	v40 =	vmin.f32 v49, v40;
	v61 =	vsub.f32 v15, v41;
	v41 =	vsub.f32 v41, v16  }
0x5e: {  	s19 =	sor.u32 $0x10, s20;
	v36 =	vmax.f32 v36, v40;
	v40 =	vadd.f32 v60, v59;
	v37 =	vsub.f32 v48, v37  }
0x5f: {  	s19 =	sand.u32 $0x70, s19;
	v57 =	vmul.f32 v62, v44;
	v51 =	vmul.f32 v63, v44;
	v48 =	vsub.f32 v23, v47  }
0x60: {  	v53 =	vld.idx.msk [tilespmem:v29+s19+$0x0 ss:$0x1], $0xffff;
	v60 =	vsub.f32 v24, v45;
	v49 =	vmin.f32 v58, v50;
	v41 =	vmin.f32 v61, v41  }
0x61: {  	v52 =	vld.idx.msk [tilespmem:v30+s19+$0x0 ss:$0x1], $0xffff;
	v56 =	vsub.f32 v14, v40;
	v40 =	vsub.f32 v40, v19;
	v58 =	vmul.f32 v63, v43  }
0x62: {  	v59 =	vsub.f32 v15, v37;
	v50 =	vmul.f32 v62, v43;
	v63 =	vmul.f32 v48, v44  }
0x63: {  	v54 =	vmul.f32 v60, v44;
	v48 =	vmul.f32 v48, v43;
	v41 =	vmin.f32 v49, v41  }
0x64: {  	v37 =	vsub.f32 v37, v16;
	v41 =	vmax.f32 v36, v41;
	v49 =	vadd.f32 v58, v57  }
0x65: {  	v55 =	vld.idx.msk [tilespmem:v31+s19+$0x0 ss:$0x1], $0xffff;
	v40 =	vmin.f32 v56, v40;
	v50 =	vsub.f32 v51, v50;
	v48 =	vsub.f32 v54, v48  }
0x66: {  	v62 =	vld.idx.msk [tilespmem:v32+s19+$0x0 ss:$0x1], $0xffff;
	v37 =	vmin.f32 v59, v37;
	v54 =	vsub.f32 v25, v47;
	v51 =	vsub.f32 v53, v52  }
0x67: {  	v58 =	vmul.f32 v60, v43;
	v60 =	vsub.f32 v26, v45;
	v61 =	vsub.f32 v42, v49  }
0x68: {  	v40 =	vmin.f32 v40, v37;
	v49 =	vsub.f32 v49, v46;
	v59 =	vsub.f32 v38, v50  }
0x69: {  	v50 =	vsub.f32 v50, v39;
	v57 =	vadd.f32 v58, v63;
	v58 =	vmax.f32 v41, v40  }
0x6a: {  	v36 =	vld [tilespmem:s20+$0x5210];
	v51 =	vmul.f32 v51, v3;
	v63 =	vmul.f32 v60, v43;
	v5 =	vsub.f32 v48, v39  }
0x6b: {  	v37 =	vld [tilespmem:s20+$0x5410];
	v60 =	vmul.f32 v60, v44;
	v52 =	vsub.f32 v55, v62;
	v62 =	vsub.f32 v38, v48  }
0x6c: {  	v40 =	vld.idx.msk [tilespmem:v33+s19+$0x0 ss:$0x1], $0xffff;
	v49 =	vmin.f32 v61, v49;
	v56 =	vsub.f32 v42, v57;
	v61 =	vmul.f32 v54, v44  }
0x6d: {  	v41 =	vld.idx.msk [tilespmem:v34+s19+$0x0 ss:$0x1], $0xffff;
	v48 =	vmul.f32 $9.499999880e-01, v51;
	v54 =	vmul.f32 v54, v43;
	v50 =	vmin.f32 v59, v50  }
0x6e: {  	v57 =	vsub.f32 v57, v46;
	v52 =	vmul.f32 v52, v3;
	v49 =	vmin.f32 v49, v50  }
0x6f: {  	v5 =	vmin.f32 v62, v5;
	v48 =	vadd.f32 v48, v53;
	v50 =	vsub.f32 v60, v54  }
0x70: {  	v54 =	vsub.f32 v28, v45;
	v60 =	vmul.f32 v6, v44;
	v6 =	vmul.f32 v6, v43  }
0x71: {  	v51 =	vmul.f32 $9.499999880e-01, v52;
	v52 =	vadd.f32 v63, v61;
	v61 =	vmul.f32 v40, v36  }
0x72: {  	v57 =	vmin.f32 v56, v57;
	v63 =	vmul.f32 v41, v37;
	v0 =	vmul.f32 v41, v36  }
0x73: {  	v1 =	vmul.f32 v40, v37;
	v5 =	vmin.f32 v57, v5;
	v57 =	vsub.f32 v38, v50  }
0x74: {  	v45 =	vld [tilespmem:s20+$0x5510];
	v44 =	vmul.f32 v54, v44;
	v47 =	vadd.f32 v51, v55;
	v51 =	vsub.f32 v61, v63  }
0x75: {  	v50 =	vsub.f32 v50, v39;
	v59 =	vadd.f32 v0, v1  }
0x76: {  	v49 =	vmax.f32 v58, v49;
	v6 =	vsub.f32 v44, v6;
	v51 =	vadd.f32 v51, v48  }
0x77: {  	v54 =	vmul.f32 v54, v43;
	v53 =	vadd.f32 v47, v59;
	v59 =	vsub.f32 v42, v52  }
0x78: {  	v5 =	vmax.f32 v49, v5;
	v52 =	vsub.f32 v52, v46;
	v43 =	vsub.f32 v51, v17  }
0x79: {  	v58 =	vmul.f32 v41, v45;
	v51 =	vsub.f32 v53, v18;
	v53 =	vadd.f32 v54, v60  }
0x7a: {  	v38 =	vsub.f32 v38, v6;
	v6 =	vsub.f32 v6, v39;
	v60 =	vmul.f32 v40, v45  }
0x7b: {  	v62 =	vsub.f32 v61, v58;
	v44 =	vmul.f32 v43, v12;
	v55 =	vsub.f32 v42, v53  }
0x7c: {  	v54 =	vmul.f32 v51, v13;
	v46 =	vsub.f32 v53, v46;
	v0 =	vadd.f32 v0, v60  }
0x7d: {  	v61 =	vadd.f32 v62, v48;
	v42 =	vld [tilespmem:s20+$0x5310];
	v51 =	vmul.f32 v51, v12;
	v43 =	vmul.f32 v43, v13  }
0x7e: {  	v50 =	vmin.f32 v57, v50;
	v44 =	vadd.f32 v54, v44;
	v0 =	vadd.f32 v47, v0  }
0x7f: {  	v52 =	vmin.f32 v59, v52;
	v49 =	vsub.f32 v61, v17;
	v62 =	vsub.f32 v51, v43  }
0x80: {  	v50 =	vmin.f32 v52, v50;
	v0 =	vsub.f32 v0, v18;
	v43 =	vsub.f32 v14, v44  }
0x81: {  	v57 =	vmul.f32 v49, v12;
	v52 =	vsub.f32 v15, v62;
	v49 =	vmul.f32 v49, v13  }
0x82: {  	v39 =	vsub.f32 v62, v16;
	v53 =	vmul.f32 v40, v42;
	v54 =	vmul.f32 v41, v42  }
0x83: {  	v44 =	vsub.f32 v44, v19;
	v59 =	vmul.f32 v0, v13;
	v0 =	vmul.f32 v0, v12  }
0x84: {  	v39 =	vmin.f32 v52, v39;
	v52 =	vsub.f32 v22, v47;
	v61 =	vsub.f32 v53, v58  }
0x85: {  	v6 =	vmin.f32 v38, v6;
	v62 =	vadd.f32 v54, v60;
	v1 =	vadd.f32 v54, v1  }
0x86: {  	v5 =	vmax.f32 v5, v50;
	v51 =	vadd.f32 v59, v57;
	v0 =	vsub.f32 v0, v49  }
0x87: {  	v46 =	vmin.f32 v55, v46;
	v57 =	vadd.f32 v61, v48;
	v58 =	vadd.f32 v47, v62  }
0x88: {  	v6 =	vmin.f32 v46, v6;
	v62 =	vsub.f32 v53, v63;
	v1 =	vadd.f32 v47, v1  }
0x89: {  	v43 =	vmin.f32 v43, v44;
	v49 =	vsub.f32 v14, v51;
	v59 =	vsub.f32 v51, v19  }
0x8a: {  	v39 =	vmin.f32 v43, v39;
	v60 =	vsub.f32 v15, v0;
	v0 =	vsub.f32 v0, v16  }
0x8b: {  	v55 =	vmul.f32 v52, v41;
	v38 =	vsub.f32 v57, v17;
	v61 =	vsub.f32 v58, v18  }
0x8c: {  	v57 =	vadd.f32 v62, v48;
	v1 =	vsub.f32 v1, v18;
	v46 =	vmin.f32 v49, v59  }
0x8d: {  	v0 =	vmin.f32 v60, v0;
	v63 =	vmul.f32 v38, v12;
	v56 =	vmul.f32 v61, v13  }
0x8e: {  	v44 =	vmul.f32 v61, v12;
	v38 =	vmul.f32 v38, v13;
	v49 =	vsub.f32 v57, v17  }
0x8f: {  	v0 =	vmin.f32 v46, v0;
	v61 =	vmul.f32 v1, v13;
	v1 =	vmul.f32 v1, v12  }
0x90: {  	v46 =	vmul.f32 v52, v40;
	v57 =	vsub.f32 v23, v48;
	v58 =	vadd.f32 v56, v63  }
0x91: {  	v38 =	vsub.f32 v44, v38;
	v60 =	vmul.f32 v49, v12;
	v63 =	vsub.f32 v21, v48  }
0x92: {  	v49 =	vmul.f32 v49, v13;
	v59 =	vsub.f32 v14, v58;
	v50 =	vsub.f32 v58, v19  }
0x93: {  	v0 =	vmax.f32 v39, v0;
	v62 =	vsub.f32 v15, v38;
	v38 =	vsub.f32 v38, v16  }
0x94: {  	v44 =	vadd.f32 v61, v60;
	v1 =	vsub.f32 v1, v49;
	v54 =	vmul.f32 v63, v40  }
0x95: {  	v39 =	vmul.f32 v63, v41;
	v58 =	vsub.f32 v24, v47;
	v63 =	vsub.f32 v26, v47  }
0x96: {  	v60 =	vmul.f32 v57, v40;
	v47 =	vsub.f32 v28, v47;
	v53 =	vsub.f32 v14, v44  }
0x97: {  	v43 =	vmin.f32 v59, v50;
	v44 =	vsub.f32 v44, v19;
	v56 =	vsub.f32 v15, v1  }
0x98: {  	v38 =	vmin.f32 v62, v38;
	v1 =	vsub.f32 v1, v16;
	v39 =	vsub.f32 v46, v39  }
0x99: {  	v61 =	vmul.f32 v58, v41;
	v49 =	vmul.f32 v58, v40;
	v62 =	vsub.f32 v25, v48  }
0x9a: {  	v50 =	vmul.f32 v63, v40;
	v48 =	vsub.f32 v27, v48;
	v38 =	vmin.f32 v43, v38  }
0x9b: {  	v0 =	vmax.f32 v0, v38;
	v43 =	vmin.f32 v53, v44;
	v38 =	vadd.f32 v55, v54  }
0x9c: {  	v1 =	vmin.f32 v56, v1;
	v44 =	vmul.f32 v57, v41;
	v56 =	vmul.f32 v62, v40  }
0x9d: {  	v46 =	vadd.f32 v61, v60;
	v57 =	vmul.f32 v63, v41;
	v60 =	vmul.f32 v48, v40  }
0x9e: {  	v40 =	vmul.f32 v47, v40;
	v47 =	vmul.f32 v47, v41  }
0x9f: {  	v1 =	vmin.f32 v43, v1;
	v59 =	vsub.f32 v36, v38;
	v38 =	vsub.f32 v38, v42  }
0xa0: {  	v0 =	vmax.f32 v0, v1;
	v1 =	vsub.f32 v37, v39;
	v39 =	vsub.f32 v39, v45  }
0xa1: {  	v43 =	vmul.f32 v62, v41;
	v54 =	vsub.f32 v49, v44;
	v55 =	vsub.f32 v36, v46  }
0xa2: {  	v41 =	vmul.f32 v48, v41;
	v46 =	vsub.f32 v46, v42;
	v58 =	vadd.f32 v57, v56  }
0xa3: {  	v47 =	vadd.f32 v47, v60;
	v43 =	vsub.f32 v50, v43  }
0xa4: {  	v40 =	vsub.f32 v40, v41;
	v38 =	vmin.f32 v59, v38;
	v59 =	vsub.f32 v37, v54  }
0xa5: {  	v1 =	vmin.f32 v1, v39;
	v39 =	vsub.f32 v54, v45;
	v61 =	vsub.f32 v36, v58  }
0xa6: {  	v44 =	vmin.f32 v55, v46;
	v36 =	vsub.f32 v36, v47;
	v1 =	vmin.f32 v38, v1  }
0xa7: {  	v63 =	vld.idx.msk [tilespmem:v35+s19+$0x0 ss:$0x1], $0xffff;
	v38 =	vsub.f32 v58, v42;
	v42 =	vsub.f32 v47, v42;
	v0 =	vmax.f32 v0, v1  }
0xa8: {  	v62 =	vld.idx.msk [tilespmem:v35+s18+$0x0 ss:$0x1], $0xffff;
	v1 =	vsub.f32 v37, v43;
	v43 =	vsub.f32 v43, v45;
	v39 =	vmin.f32 v59, v39  }
0xa9: {  	v37 =	vsub.f32 v37, v40;
	v40 =	vsub.f32 v40, v45;
	v39 =	vmin.f32 v44, v39  }
0xaa: {  	v38 =	vmin.f32 v61, v38;
	v36 =	vmin.f32 v36, v42;
	v1 =	vmin.f32 v1, v43  }
0xab: {  	v0 =	vmax.f32 v0, v39;
	v37 =	vmin.f32 v37, v40;
	v1 =	vmin.f32 v38, v1  }
0xac: {  	p1 =	por p0, p0;
	v5 =	vmax.f32 v5, v6;
	v0 =	vmax.f32 v0, v1;
	v1 =	vmin.f32 v36, v37  }
.Ltmp0:
0xad: {  	v6 =	vadd.f32 $-5.000000000e-01, v62;
	v0 =	vmax.f32 v0, v1;
	v1 =	vadd.f32 $-5.000000000e-01, v63;
	(pc) =	sbr.rel @p1 .LBB2_4-.Ltmp0, $4  }
0xae: {  	v5 =	vmin.f32 v5, v20;
	v0 =	vmin.f32 v0, v20  }
0xaf: {  	v5 =	vmin.f32 v5, v6;
	v0 =	vmin.f32 v0, v1  }
0xb0: {  	v0 =	vmax.f32 v5, v0  }
0xb1: {  	p0 =	por $0x0, $0x0;
	s18 =	simm.s32 $0x20;
	v8 =	vmax.f32 v8, v0  }
0xb2: {  	s17 =	sadd.s32 $0x1, s17  }
0xb3: {  	p0 =	sne.s32 s17, $0x10  }
.Ltmp1:
0xb4: {  	_ = 	snop;
	(pc) =	sbr.rel @p0 .LBB2_3-.Ltmp1, $1  }
0xb5: {  	_ =	sdelay $0x3  }
0xb6: {  	v0 =	vld [tilespmem:$0x1FFE0];
	_ =	sdelay $0x2  }
0xb7: {  	v1 =	vld [tilespmem:$0x1FFF0];
	_ =	sdelay $0x1  }
0xb8: {  	v0 =	vperm.xlane v8, v0;
	_ =	sdelay $0x1  }
0xb9: {  	v0 =	vmax.f32 v8, v0  }
0xba: {  	v1 =	vperm.xlane v0, v1;
	_ =	sdelay $0x1  }
0xbb: {  	v0 =	vmax.f32 v0, v1  }
0xbc: {  	v1 =	vperm.xlane v0, v2;
	_ =	sdelay $0x1  }
0xbd: {  	v0 =	vmax.f32 v0, v1  }
0xbe: {  	v1 =	vperm.xlane v0, v4;
	_ =	sdelay $0x1  }
0xbf: {  	v0 =	vmax.f32 v0, v1;
	v1 =	vmov s13;
	s13 =	sadd.s32 $0x1, s13  }
0xc0: {  	p0 =	sne.s32 s13, $0x4  }
.Ltmp2:
0xc1: {  	_ = 	snop;
	(pc) =	sbr.rel @p0 .LBB2_2-.Ltmp2, $4  }
0xc2: {  	_ = 	snop  }
0xc3: {  	v5 =	vlaneseq.u32;
	vm0 =	vgt.f32 v0, $0.0e+00;
	v0 =	vimm.f32 $1.000000000e+00  }
0xc4: {  	vm15 =	veq.s32 v1, v5;
	v0 =	vsel vm0, $0x0, v0  }
0xc5: {  	v7 =	vsel vm15, v0, v7  }
0xc6: {  	s12 =	sadd.s32 $0x1, s12  }
0xc7: {  	p0 =	sne.s32 s12, s7  }
.Ltmp3:
0xc8: {  	[tilespmem:$0x7A00] =	vst v7;
	(pc) =	sbr.rel @p0 .LBB2_1-.Ltmp3, $4  }
0xc9: {  	[hbm4b:s6+s1] =	stream.linear.scatter [tilespmem:s11], [sflag:$0x1], $0x10, $0x38;
	[tilespmem:$0x7A80] =	vst v63  }
0xca: {  	_ =	swait.ge [sflag:s8], $0x10  }
0xcb: {  	[sflag:s8] =	ssyncset.done $0x0  }
0xcc: {  	[sflag:s8] =	ssyncadd.s32 $0xFFFFFFF0  }
0xcd: {  	_ =	sfence.sel $0x180000  }
0xce: {  	[bflag:$0x0] =	sbarrier.arrive $0xFFFF  }
0xcf: {  	p0 =	sne.s32 s2, $0x0;
	_ =	strace $0x90000047  }
0xd0: {  	s0 =	sadd.s32 @!p0 $0x100000, s0;
	[bflag:$0x2] =	sbarrier.arrive $0xFFFF  }
0xd1: {  	[sflag:s0] =	ssyncadd.tile.s32 @!p0 $0x1;
	_ =	shalt  }
.Lfunc_end2:
_tile_overlayer_lowered:
.L_overlay_start_2:
0xd2: {  	(tag) =	ssettag $0x2  }
0xd3: {  	s0 =	rddreg [dreg:$0x0];
	s2 =	stileid.u32  }
0xd4: {  	s1 =	rddreg [dreg:$0x1];
	p0 =	sne.s32 s2, $0x0  }
0xd5: {  	s3 =	rddreg [dreg:$0x2];
	[bflag:$0x3] =	sbarrier.arrive $0xFFFF;
	s2 =	simm.s32 @!p0 $0x1C01  }
0xd6: {  	[timem:s3], [sflag:s2] =	dma.local @!p0 [hbm:s0], s1  }
0xd7: {  	s0 =	simm.s32 @!p0 $0x1  }
0xd8: {  	_ =	swait.ge @!p0 [sflag:s0], s1  }
0xd9: {  	s1 =	ssub.s32 @!p0 $0x0, s1;
	[sflag:s0] =	ssyncset.done @!p0 $0x0  }
0xda: {  	[sflag:s0] =	ssyncadd.s32 @!p0 s1  }
0xdb: {  	[bflag:$0x3] =	sbarrier.arrive $0xFFFF  }
0xdc: {  	_ =	shalt  }

</sc_bundles>
